<compile_context>
chip_gen: v7x
topology: tpu7x:2x2x1
jax: 0.10.2.dev20260603
libtpu: 0.0.44.dev20260713+nightly
codegen_flags: <defaults>
</compile_context>

<pallas_src>
import functools

import jax
import jax.numpy as jnp
from jax import lax
from jax.experimental import pallas as pl
from jax.experimental.pallas import tpu as pltpu
from jax.experimental.pallas import tpu_sc as plsc


def kernel(x, pe):
    batch, seq_len, d_model = x.shape
    info = plsc.get_sparse_core_info()
    nw = info.num_cores * info.num_subcores
    seq_per_w = seq_len // nw
    rows = 16
    chunk = rows * d_model
    n_chunks = seq_per_w // rows
    lanes = info.num_lanes
    unroll = 8

    xf = x.reshape(batch * seq_len * d_model)
    pef = pe.reshape(pe.shape[0] * d_model)

    mesh = plsc.VectorSubcoreMesh(core_axis_name="c", subcore_axis_name="s")

    @functools.partial(
        pl.kernel,
        out_type=jax.ShapeDtypeStruct((batch * seq_len * d_model,), jnp.float32),
        mesh=mesh,
        scratch_types=(
            [pltpu.VMEM((batch, chunk), jnp.float32), pltpu.VMEM((chunk,), jnp.float32)]
            + [pltpu.SemaphoreType.DMA] * (2 * batch)
        ),
    )
    def sc_add(x_hbm, pe_hbm, out_hbm, xb, peb, *sems):
        sin, sout = sems[:batch], sems[batch:]
        wid = lax.axis_index("s") * info.num_cores + lax.axis_index("c")
        s0 = wid * seq_per_w

        def group(c, _):
            pe_off = (s0 + c * rows) * d_model
            in_handles = []
            for b in range(batch):
                x_off = b * seq_len * d_model + pe_off
                in_handles.append(
                    pltpu.async_copy(x_hbm.at[pl.ds(x_off, chunk)], xb.at[b], sin[b])
                )
            pltpu.sync_copy(pe_hbm.at[pl.ds(pe_off, chunk)], peb)
            out_handles = []
            for b in range(batch):
                x_off = b * seq_len * d_model + pe_off
                in_handles[b].wait()

                def vec_body(i, _, b=b):
                    base = i * (lanes * unroll)
                    for u in range(unroll):
                        sl = pl.ds(base + u * lanes, lanes)
                        xb[b, sl] = xb[b, sl] + peb[sl]
                    return 0

                out_handles.append(
                    pltpu.async_copy(xb.at[b], out_hbm.at[pl.ds(x_off, chunk)], sout[b])
                )
            for h in out_handles:
                h.wait()
            return 0

        lax.fori_loop(0, n_chunks, group, 0)

    return sc_add(xf, pef).reshape(x.shape)

# --- scband reference (transcript-rebuilt; emitter-appended) ---
"""Pipeline reference for scband-learned-positional-encoding-3092376453326 (READ-ONLY COPY).

The authoritative reference and input builder live on the scoring server;
editing this copy changes nothing except your own understanding.
"""

import jax, jax.numpy as jnp
import numpy as np

BATCH = 4
SEQ_LEN = 8192
D_MODEL = 1024
MAX_LEN = 10000


def setup_inputs(seed: int = 0) -> dict:
    key = jax.random.key(seed)
    k1, k2 = jax.random.split(key)
    x = jax.random.normal(k1, (BATCH, SEQ_LEN, D_MODEL), dtype=jnp.float32)
    pe = jax.random.normal(k2, (MAX_LEN, D_MODEL), dtype=jnp.float32)
    return {"x": x, "pe": pe}


def reference(x, pe):
    batch, seq_len, d_model = x.shape
    positions = jnp.broadcast_to(jnp.arange(seq_len)[None, :], (batch, seq_len))
    pos_emb = jnp.take(pe, positions, axis=0)
    return x + pos_emb

if __name__ == "__main__":
    import jax
    _d = setup_inputs()
    print(jax.jit(kernel)(*tuple(_d.values())))

</pallas_src>

<mosaic_0001>
#map = affine_map<(d0, d1) -> (0)>
module attributes {stable_mosaic.version = 14 : i64} {
  func.func @sc_add(%arg0: i32, %arg1: i32, %arg2: memref<33554432xf32, #tpu.memory_space<hbm>>, %arg3: memref<10240000xf32, #tpu.memory_space<hbm>>, %arg4: memref<33554432xf32, #tpu.memory_space<hbm>>, %arg5: memref<4x16384xf32, #tpu.memory_space<vmem>>, %arg6: memref<16384xf32, #tpu.memory_space<vmem>>, %arg7: memref<!tpu.dma_semaphore, #tpu.memory_space<semaphore_mem>>, %arg8: memref<!tpu.dma_semaphore, #tpu.memory_space<semaphore_mem>>, %arg9: memref<!tpu.dma_semaphore, #tpu.memory_space<semaphore_mem>>, %arg10: memref<!tpu.dma_semaphore, #tpu.memory_space<semaphore_mem>>, %arg11: memref<!tpu.dma_semaphore, #tpu.memory_space<semaphore_mem>>, %arg12: memref<!tpu.dma_semaphore, #tpu.memory_space<semaphore_mem>>, %arg13: memref<!tpu.dma_semaphore, #tpu.memory_space<semaphore_mem>>, %arg14: memref<!tpu.dma_semaphore, #tpu.memory_space<semaphore_mem>>) attributes {dimension_semantics = [#tpu.dimension_semantics<core_parallel>, #tpu.dimension_semantics<subcore_parallel>], iteration_bounds = array<i64: 2, 16>, scalar_prefetch = 0 : i64, scratch_operands = 10 : i64, tpu.core_type = #tpu.core_type<sc_vector_subcore>, window_params = [{transform_indices = #map}, {transform_indices = #map}, {transform_indices = #map}]} {
    %mul3A = arith.constant 2 : i32
    %mul3A_0 = arith.muli %arg1, %mul3A : i32
    %add3A = arith.addi %mul3A_0, %arg0 : i32
    %mul3A_1 = arith.constant 256 : i32
    %mul3A_2 = arith.muli %add3A, %mul3A_1 : i32
    %scan3A = arith.constant 0 : i32
    %scan3A_3 = arith.constant 0 : i32
    %scan3A_4 = arith.constant 16 : i32
    %scan3A_5 = arith.addi %scan3A_3, %scan3A_4 : i32
    %scan3A_6 = arith.constant 1 : i32
    %scan3A_7 = scf.for %scan3A_9 = %scan3A_3 to %scan3A_5 step %scan3A_6 iter_args(%scan3A_10 = %scan3A) -> (i32)  : i32 {
      %mul3A_11 = arith.constant 16 : i32
      %mul3A_12 = arith.muli %scan3A_9, %mul3A_11 : i32
      %add3A_13 = arith.addi %mul3A_2, %mul3A_12 : i32
      %mul3A_14 = arith.constant 1024 : i32
      %mul3A_15 = arith.muli %add3A_13, %mul3A_14 : i32
      %add3A_16 = arith.constant 0 : i32
      %add3A_17 = arith.addi %add3A_16, %mul3A_15 : i32
      %dma_start3A = arith.constant 0 : i32
      %dma_start3A_18 = arith.constant 0 : i32
      %dma_start3A_19 = tpu.memref_slice %arg5[%dma_start3A, %dma_start3A_18] : memref<4x16384xf32, #tpu.memory_space<vmem>> -> memref<1x16384xf32, #tpu.memory_space<vmem>>
      %dma_start3A_20 = tpu.memref_squeeze %dma_start3A_19 : memref<1x16384xf32, #tpu.memory_space<vmem>> -> memref<16384xf32, #tpu.memory_space<vmem>>
      %dma_start3A_21 = tpu.memref_slice %arg2[%add3A_17] : memref<33554432xf32, #tpu.memory_space<hbm>> -> memref<16384xf32, #tpu.memory_space<hbm>>
      %dma_start3A_22 = arith.constant 0 : i32
      %dma_start3A_23 = tpu.memref_slice %arg5[%dma_start3A, %dma_start3A_22] : memref<4x16384xf32, #tpu.memory_space<vmem>> -> memref<1x16384xf32, #tpu.memory_space<vmem>>
      %dma_start3A_24 = tpu.memref_squeeze %dma_start3A_23 : memref<1x16384xf32, #tpu.memory_space<vmem>> -> memref<16384xf32, #tpu.memory_space<vmem>>
      %dma_start3A_25 = tpu.memref_slice %arg2[%add3A_17] : memref<33554432xf32, #tpu.memory_space<hbm>> -> memref<16384xf32, #tpu.memory_space<hbm>>
      tpu.enqueue_dma source(%dma_start3A_25 : memref<16384xf32, #tpu.memory_space<hbm>>) target(%dma_start3A_24 : memref<16384xf32, #tpu.memory_space<vmem>>) target_semaphore(%arg7 : memref<!tpu.dma_semaphore, #tpu.memory_space<semaphore_mem>>)
      %add3A_26 = arith.constant 8388608 : i32
      %add3A_27 = arith.addi %add3A_26, %mul3A_15 : i32
      %dma_start3A_28 = arith.constant 1 : i32
      %dma_start3A_29 = arith.constant 0 : i32
      %dma_start3A_30 = tpu.memref_slice %arg5[%dma_start3A_28, %dma_start3A_29] : memref<4x16384xf32, #tpu.memory_space<vmem>> -> memref<1x16384xf32, #tpu.memory_space<vmem>>
      %dma_start3A_31 = tpu.memref_squeeze %dma_start3A_30 : memref<1x16384xf32, #tpu.memory_space<vmem>> -> memref<16384xf32, #tpu.memory_space<vmem>>
      %dma_start3A_32 = tpu.memref_slice %arg2[%add3A_27] : memref<33554432xf32, #tpu.memory_space<hbm>> -> memref<16384xf32, #tpu.memory_space<hbm>>
      %dma_start3A_33 = arith.constant 0 : i32
      %dma_start3A_34 = tpu.memref_slice %arg5[%dma_start3A_28, %dma_start3A_33] : memref<4x16384xf32, #tpu.memory_space<vmem>> -> memref<1x16384xf32, #tpu.memory_space<vmem>>
      %dma_start3A_35 = tpu.memref_squeeze %dma_start3A_34 : memref<1x16384xf32, #tpu.memory_space<vmem>> -> memref<16384xf32, #tpu.memory_space<vmem>>
      %dma_start3A_36 = tpu.memref_slice %arg2[%add3A_27] : memref<33554432xf32, #tpu.memory_space<hbm>> -> memref<16384xf32, #tpu.memory_space<hbm>>
      tpu.enqueue_dma source(%dma_start3A_36 : memref<16384xf32, #tpu.memory_space<hbm>>) target(%dma_start3A_35 : memref<16384xf32, #tpu.memory_space<vmem>>) target_semaphore(%arg8 : memref<!tpu.dma_semaphore, #tpu.memory_space<semaphore_mem>>)
      %add3A_37 = arith.constant 16777216 : i32
      %add3A_38 = arith.addi %add3A_37, %mul3A_15 : i32
      %dma_start3A_39 = arith.constant 2 : i32
      %dma_start3A_40 = arith.constant 0 : i32
      %dma_start3A_41 = tpu.memref_slice %arg5[%dma_start3A_39, %dma_start3A_40] : memref<4x16384xf32, #tpu.memory_space<vmem>> -> memref<1x16384xf32, #tpu.memory_space<vmem>>
      %dma_start3A_42 = tpu.memref_squeeze %dma_start3A_41 : memref<1x16384xf32, #tpu.memory_space<vmem>> -> memref<16384xf32, #tpu.memory_space<vmem>>
      %dma_start3A_43 = tpu.memref_slice %arg2[%add3A_38] : memref<33554432xf32, #tpu.memory_space<hbm>> -> memref<16384xf32, #tpu.memory_space<hbm>>
      %dma_start3A_44 = arith.constant 0 : i32
      %dma_start3A_45 = tpu.memref_slice %arg5[%dma_start3A_39, %dma_start3A_44] : memref<4x16384xf32, #tpu.memory_space<vmem>> -> memref<1x16384xf32, #tpu.memory_space<vmem>>
      %dma_start3A_46 = tpu.memref_squeeze %dma_start3A_45 : memref<1x16384xf32, #tpu.memory_space<vmem>> -> memref<16384xf32, #tpu.memory_space<vmem>>
      %dma_start3A_47 = tpu.memref_slice %arg2[%add3A_38] : memref<33554432xf32, #tpu.memory_space<hbm>> -> memref<16384xf32, #tpu.memory_space<hbm>>
      tpu.enqueue_dma source(%dma_start3A_47 : memref<16384xf32, #tpu.memory_space<hbm>>) target(%dma_start3A_46 : memref<16384xf32, #tpu.memory_space<vmem>>) target_semaphore(%arg9 : memref<!tpu.dma_semaphore, #tpu.memory_space<semaphore_mem>>)
      %add3A_48 = arith.constant 25165824 : i32
      %add3A_49 = arith.addi %add3A_48, %mul3A_15 : i32
      %dma_start3A_50 = arith.constant 3 : i32
      %dma_start3A_51 = arith.constant 0 : i32
      %dma_start3A_52 = tpu.memref_slice %arg5[%dma_start3A_50, %dma_start3A_51] : memref<4x16384xf32, #tpu.memory_space<vmem>> -> memref<1x16384xf32, #tpu.memory_space<vmem>>
      %dma_start3A_53 = tpu.memref_squeeze %dma_start3A_52 : memref<1x16384xf32, #tpu.memory_space<vmem>> -> memref<16384xf32, #tpu.memory_space<vmem>>
      %dma_start3A_54 = tpu.memref_slice %arg2[%add3A_49] : memref<33554432xf32, #tpu.memory_space<hbm>> -> memref<16384xf32, #tpu.memory_space<hbm>>
      %dma_start3A_55 = arith.constant 0 : i32
      %dma_start3A_56 = tpu.memref_slice %arg5[%dma_start3A_50, %dma_start3A_55] : memref<4x16384xf32, #tpu.memory_space<vmem>> -> memref<1x16384xf32, #tpu.memory_space<vmem>>
      %dma_start3A_57 = tpu.memref_squeeze %dma_start3A_56 : memref<1x16384xf32, #tpu.memory_space<vmem>> -> memref<16384xf32, #tpu.memory_space<vmem>>
      %dma_start3A_58 = tpu.memref_slice %arg2[%add3A_49] : memref<33554432xf32, #tpu.memory_space<hbm>> -> memref<16384xf32, #tpu.memory_space<hbm>>
      tpu.enqueue_dma source(%dma_start3A_58 : memref<16384xf32, #tpu.memory_space<hbm>>) target(%dma_start3A_57 : memref<16384xf32, #tpu.memory_space<vmem>>) target_semaphore(%arg10 : memref<!tpu.dma_semaphore, #tpu.memory_space<semaphore_mem>>)
      "tpu.region"() ({
        %run_scoped3A = tpu.sem_alloc : memref<!tpu.dma_semaphore, #tpu.memory_space<semaphore_mem>>
        %dma_start3A_175 = tpu.memref_slice %arg3[%mul3A_15] : memref<10240000xf32, #tpu.memory_space<hbm>> -> memref<16384xf32, #tpu.memory_space<hbm>>
        %dma_start3A_176 = tpu.memref_slice %arg3[%mul3A_15] : memref<10240000xf32, #tpu.memory_space<hbm>> -> memref<16384xf32, #tpu.memory_space<hbm>>
        tpu.enqueue_dma source(%dma_start3A_176 : memref<16384xf32, #tpu.memory_space<hbm>>) target(%arg6 : memref<16384xf32, #tpu.memory_space<vmem>>) target_semaphore(%run_scoped3A : memref<!tpu.dma_semaphore, #tpu.memory_space<semaphore_mem>>)
        %dma_wait3A_177 = tpu.memref_slice %arg3[%mul3A_15] : memref<10240000xf32, #tpu.memory_space<hbm>> -> memref<16384xf32, #tpu.memory_space<hbm>>
        %dma_wait3A_178 = tpu.memref_slice %arg3[%mul3A_15] : memref<10240000xf32, #tpu.memory_space<hbm>> -> memref<16384xf32, #tpu.memory_space<hbm>>
        tpu.wait_dma2 semaphore(%run_scoped3A : memref<!tpu.dma_semaphore, #tpu.memory_space<semaphore_mem>>) src(%dma_wait3A_178 : memref<16384xf32, #tpu.memory_space<hbm>>) dst(%arg6 : memref<16384xf32, #tpu.memory_space<vmem>>)
        tpu.yield
      }) : () -> ()
      %add3A_59 = arith.constant 0 : i32
      %add3A_60 = arith.addi %add3A_59, %mul3A_15 : i32
      %dma_wait3A = arith.constant 0 : i32
      %dma_wait3A_61 = arith.constant 0 : i32
      %dma_wait3A_62 = tpu.memref_slice %arg5[%dma_wait3A, %dma_wait3A_61] : memref<4x16384xf32, #tpu.memory_space<vmem>> -> memref<1x16384xf32, #tpu.memory_space<vmem>>
      %dma_wait3A_63 = tpu.memref_squeeze %dma_wait3A_62 : memref<1x16384xf32, #tpu.memory_space<vmem>> -> memref<16384xf32, #tpu.memory_space<vmem>>
      %dma_wait3A_64 = tpu.memref_slice %arg2[%add3A_17] : memref<33554432xf32, #tpu.memory_space<hbm>> -> memref<16384xf32, #tpu.memory_space<hbm>>
      %dma_wait3A_65 = arith.constant 0 : i32
      %dma_wait3A_66 = tpu.memref_slice %arg5[%dma_wait3A, %dma_wait3A_65] : memref<4x16384xf32, #tpu.memory_space<vmem>> -> memref<1x16384xf32, #tpu.memory_space<vmem>>
      %dma_wait3A_67 = tpu.memref_squeeze %dma_wait3A_66 : memref<1x16384xf32, #tpu.memory_space<vmem>> -> memref<16384xf32, #tpu.memory_space<vmem>>
      %dma_wait3A_68 = tpu.memref_slice %arg2[%add3A_17] : memref<33554432xf32, #tpu.memory_space<hbm>> -> memref<16384xf32, #tpu.memory_space<hbm>>
      tpu.wait_dma2 semaphore(%arg7 : memref<!tpu.dma_semaphore, #tpu.memory_space<semaphore_mem>>) src(%dma_wait3A_68 : memref<16384xf32, #tpu.memory_space<hbm>>) dst(%dma_wait3A_67 : memref<16384xf32, #tpu.memory_space<vmem>>)
      %dma_start3A_69 = arith.constant 0 : i32
      %dma_start3A_70 = arith.constant 0 : i32
      %dma_start3A_71 = tpu.memref_slice %arg5[%dma_start3A_69, %dma_start3A_70] : memref<4x16384xf32, #tpu.memory_space<vmem>> -> memref<1x16384xf32, #tpu.memory_space<vmem>>
      %dma_start3A_72 = tpu.memref_squeeze %dma_start3A_71 : memref<1x16384xf32, #tpu.memory_space<vmem>> -> memref<16384xf32, #tpu.memory_space<vmem>>
      %dma_start3A_73 = tpu.memref_slice %arg4[%add3A_60] : memref<33554432xf32, #tpu.memory_space<hbm>> -> memref<16384xf32, #tpu.memory_space<hbm>>
      %dma_start3A_74 = tpu.memref_slice %arg4[%add3A_60] : memref<33554432xf32, #tpu.memory_space<hbm>> -> memref<16384xf32, #tpu.memory_space<hbm>>
      %dma_start3A_75 = arith.constant 0 : i32
      %dma_start3A_76 = tpu.memref_slice %arg5[%dma_start3A_69, %dma_start3A_75] : memref<4x16384xf32, #tpu.memory_space<vmem>> -> memref<1x16384xf32, #tpu.memory_space<vmem>>
      %dma_start3A_77 = tpu.memref_squeeze %dma_start3A_76 : memref<1x16384xf32, #tpu.memory_space<vmem>> -> memref<16384xf32, #tpu.memory_space<vmem>>
      tpu.enqueue_dma source(%dma_start3A_77 : memref<16384xf32, #tpu.memory_space<vmem>>) target(%dma_start3A_74 : memref<16384xf32, #tpu.memory_space<hbm>>) target_semaphore(%arg11 : memref<!tpu.dma_semaphore, #tpu.memory_space<semaphore_mem>>)
      %add3A_78 = arith.constant 8388608 : i32
      %add3A_79 = arith.addi %add3A_78, %mul3A_15 : i32
      %dma_wait3A_80 = arith.constant 1 : i32
      %dma_wait3A_81 = arith.constant 0 : i32
      %dma_wait3A_82 = tpu.memref_slice %arg5[%dma_wait3A_80, %dma_wait3A_81] : memref<4x16384xf32, #tpu.memory_space<vmem>> -> memref<1x16384xf32, #tpu.memory_space<vmem>>
      %dma_wait3A_83 = tpu.memref_squeeze %dma_wait3A_82 : memref<1x16384xf32, #tpu.memory_space<vmem>> -> memref<16384xf32, #tpu.memory_space<vmem>>
      %dma_wait3A_84 = tpu.memref_slice %arg2[%add3A_27] : memref<33554432xf32, #tpu.memory_space<hbm>> -> memref<16384xf32, #tpu.memory_space<hbm>>
      %dma_wait3A_85 = arith.constant 0 : i32
      %dma_wait3A_86 = tpu.memref_slice %arg5[%dma_wait3A_80, %dma_wait3A_85] : memref<4x16384xf32, #tpu.memory_space<vmem>> -> memref<1x16384xf32, #tpu.memory_space<vmem>>
      %dma_wait3A_87 = tpu.memref_squeeze %dma_wait3A_86 : memref<1x16384xf32, #tpu.memory_space<vmem>> -> memref<16384xf32, #tpu.memory_space<vmem>>
      %dma_wait3A_88 = tpu.memref_slice %arg2[%add3A_27] : memref<33554432xf32, #tpu.memory_space<hbm>> -> memref<16384xf32, #tpu.memory_space<hbm>>
      tpu.wait_dma2 semaphore(%arg8 : memref<!tpu.dma_semaphore, #tpu.memory_space<semaphore_mem>>) src(%dma_wait3A_88 : memref<16384xf32, #tpu.memory_space<hbm>>) dst(%dma_wait3A_87 : memref<16384xf32, #tpu.memory_space<vmem>>)
      %dma_start3A_89 = arith.constant 1 : i32
      %dma_start3A_90 = arith.constant 0 : i32
      %dma_start3A_91 = tpu.memref_slice %arg5[%dma_start3A_89, %dma_start3A_90] : memref<4x16384xf32, #tpu.memory_space<vmem>> -> memref<1x16384xf32, #tpu.memory_space<vmem>>
      %dma_start3A_92 = tpu.memref_squeeze %dma_start3A_91 : memref<1x16384xf32, #tpu.memory_space<vmem>> -> memref<16384xf32, #tpu.memory_space<vmem>>
      %dma_start3A_93 = tpu.memref_slice %arg4[%add3A_79] : memref<33554432xf32, #tpu.memory_space<hbm>> -> memref<16384xf32, #tpu.memory_space<hbm>>
      %dma_start3A_94 = tpu.memref_slice %arg4[%add3A_79] : memref<33554432xf32, #tpu.memory_space<hbm>> -> memref<16384xf32, #tpu.memory_space<hbm>>
      %dma_start3A_95 = arith.constant 0 : i32
      %dma_start3A_96 = tpu.memref_slice %arg5[%dma_start3A_89, %dma_start3A_95] : memref<4x16384xf32, #tpu.memory_space<vmem>> -> memref<1x16384xf32, #tpu.memory_space<vmem>>
      %dma_start3A_97 = tpu.memref_squeeze %dma_start3A_96 : memref<1x16384xf32, #tpu.memory_space<vmem>> -> memref<16384xf32, #tpu.memory_space<vmem>>
      tpu.enqueue_dma source(%dma_start3A_97 : memref<16384xf32, #tpu.memory_space<vmem>>) target(%dma_start3A_94 : memref<16384xf32, #tpu.memory_space<hbm>>) target_semaphore(%arg12 : memref<!tpu.dma_semaphore, #tpu.memory_space<semaphore_mem>>)
      %add3A_98 = arith.constant 16777216 : i32
      %add3A_99 = arith.addi %add3A_98, %mul3A_15 : i32
      %dma_wait3A_100 = arith.constant 2 : i32
      %dma_wait3A_101 = arith.constant 0 : i32
      %dma_wait3A_102 = tpu.memref_slice %arg5[%dma_wait3A_100, %dma_wait3A_101] : memref<4x16384xf32, #tpu.memory_space<vmem>> -> memref<1x16384xf32, #tpu.memory_space<vmem>>
      %dma_wait3A_103 = tpu.memref_squeeze %dma_wait3A_102 : memref<1x16384xf32, #tpu.memory_space<vmem>> -> memref<16384xf32, #tpu.memory_space<vmem>>
      %dma_wait3A_104 = tpu.memref_slice %arg2[%add3A_38] : memref<33554432xf32, #tpu.memory_space<hbm>> -> memref<16384xf32, #tpu.memory_space<hbm>>
      %dma_wait3A_105 = arith.constant 0 : i32
      %dma_wait3A_106 = tpu.memref_slice %arg5[%dma_wait3A_100, %dma_wait3A_105] : memref<4x16384xf32, #tpu.memory_space<vmem>> -> memref<1x16384xf32, #tpu.memory_space<vmem>>
      %dma_wait3A_107 = tpu.memref_squeeze %dma_wait3A_106 : memref<1x16384xf32, #tpu.memory_space<vmem>> -> memref<16384xf32, #tpu.memory_space<vmem>>
      %dma_wait3A_108 = tpu.memref_slice %arg2[%add3A_38] : memref<33554432xf32, #tpu.memory_space<hbm>> -> memref<16384xf32, #tpu.memory_space<hbm>>
      tpu.wait_dma2 semaphore(%arg9 : memref<!tpu.dma_semaphore, #tpu.memory_space<semaphore_mem>>) src(%dma_wait3A_108 : memref<16384xf32, #tpu.memory_space<hbm>>) dst(%dma_wait3A_107 : memref<16384xf32, #tpu.memory_space<vmem>>)
      %dma_start3A_109 = arith.constant 2 : i32
      %dma_start3A_110 = arith.constant 0 : i32
      %dma_start3A_111 = tpu.memref_slice %arg5[%dma_start3A_109, %dma_start3A_110] : memref<4x16384xf32, #tpu.memory_space<vmem>> -> memref<1x16384xf32, #tpu.memory_space<vmem>>
      %dma_start3A_112 = tpu.memref_squeeze %dma_start3A_111 : memref<1x16384xf32, #tpu.memory_space<vmem>> -> memref<16384xf32, #tpu.memory_space<vmem>>
      %dma_start3A_113 = tpu.memref_slice %arg4[%add3A_99] : memref<33554432xf32, #tpu.memory_space<hbm>> -> memref<16384xf32, #tpu.memory_space<hbm>>
      %dma_start3A_114 = tpu.memref_slice %arg4[%add3A_99] : memref<33554432xf32, #tpu.memory_space<hbm>> -> memref<16384xf32, #tpu.memory_space<hbm>>
      %dma_start3A_115 = arith.constant 0 : i32
      %dma_start3A_116 = tpu.memref_slice %arg5[%dma_start3A_109, %dma_start3A_115] : memref<4x16384xf32, #tpu.memory_space<vmem>> -> memref<1x16384xf32, #tpu.memory_space<vmem>>
      %dma_start3A_117 = tpu.memref_squeeze %dma_start3A_116 : memref<1x16384xf32, #tpu.memory_space<vmem>> -> memref<16384xf32, #tpu.memory_space<vmem>>
      tpu.enqueue_dma source(%dma_start3A_117 : memref<16384xf32, #tpu.memory_space<vmem>>) target(%dma_start3A_114 : memref<16384xf32, #tpu.memory_space<hbm>>) target_semaphore(%arg13 : memref<!tpu.dma_semaphore, #tpu.memory_space<semaphore_mem>>)
      %add3A_118 = arith.constant 25165824 : i32
      %add3A_119 = arith.addi %add3A_118, %mul3A_15 : i32
      %dma_wait3A_120 = arith.constant 3 : i32
      %dma_wait3A_121 = arith.constant 0 : i32
      %dma_wait3A_122 = tpu.memref_slice %arg5[%dma_wait3A_120, %dma_wait3A_121] : memref<4x16384xf32, #tpu.memory_space<vmem>> -> memref<1x16384xf32, #tpu.memory_space<vmem>>
      %dma_wait3A_123 = tpu.memref_squeeze %dma_wait3A_122 : memref<1x16384xf32, #tpu.memory_space<vmem>> -> memref<16384xf32, #tpu.memory_space<vmem>>
      %dma_wait3A_124 = tpu.memref_slice %arg2[%add3A_49] : memref<33554432xf32, #tpu.memory_space<hbm>> -> memref<16384xf32, #tpu.memory_space<hbm>>
      %dma_wait3A_125 = arith.constant 0 : i32
      %dma_wait3A_126 = tpu.memref_slice %arg5[%dma_wait3A_120, %dma_wait3A_125] : memref<4x16384xf32, #tpu.memory_space<vmem>> -> memref<1x16384xf32, #tpu.memory_space<vmem>>
      %dma_wait3A_127 = tpu.memref_squeeze %dma_wait3A_126 : memref<1x16384xf32, #tpu.memory_space<vmem>> -> memref<16384xf32, #tpu.memory_space<vmem>>
      %dma_wait3A_128 = tpu.memref_slice %arg2[%add3A_49] : memref<33554432xf32, #tpu.memory_space<hbm>> -> memref<16384xf32, #tpu.memory_space<hbm>>
      tpu.wait_dma2 semaphore(%arg10 : memref<!tpu.dma_semaphore, #tpu.memory_space<semaphore_mem>>) src(%dma_wait3A_128 : memref<16384xf32, #tpu.memory_space<hbm>>) dst(%dma_wait3A_127 : memref<16384xf32, #tpu.memory_space<vmem>>)
      %dma_start3A_129 = arith.constant 3 : i32
      %dma_start3A_130 = arith.constant 0 : i32
      %dma_start3A_131 = tpu.memref_slice %arg5[%dma_start3A_129, %dma_start3A_130] : memref<4x16384xf32, #tpu.memory_space<vmem>> -> memref<1x16384xf32, #tpu.memory_space<vmem>>
      %dma_start3A_132 = tpu.memref_squeeze %dma_start3A_131 : memref<1x16384xf32, #tpu.memory_space<vmem>> -> memref<16384xf32, #tpu.memory_space<vmem>>
      %dma_start3A_133 = tpu.memref_slice %arg4[%add3A_119] : memref<33554432xf32, #tpu.memory_space<hbm>> -> memref<16384xf32, #tpu.memory_space<hbm>>
      %dma_start3A_134 = tpu.memref_slice %arg4[%add3A_119] : memref<33554432xf32, #tpu.memory_space<hbm>> -> memref<16384xf32, #tpu.memory_space<hbm>>
      %dma_start3A_135 = arith.constant 0 : i32
      %dma_start3A_136 = tpu.memref_slice %arg5[%dma_start3A_129, %dma_start3A_135] : memref<4x16384xf32, #tpu.memory_space<vmem>> -> memref<1x16384xf32, #tpu.memory_space<vmem>>
      %dma_start3A_137 = tpu.memref_squeeze %dma_start3A_136 : memref<1x16384xf32, #tpu.memory_space<vmem>> -> memref<16384xf32, #tpu.memory_space<vmem>>
      tpu.enqueue_dma source(%dma_start3A_137 : memref<16384xf32, #tpu.memory_space<vmem>>) target(%dma_start3A_134 : memref<16384xf32, #tpu.memory_space<hbm>>) target_semaphore(%arg14 : memref<!tpu.dma_semaphore, #tpu.memory_space<semaphore_mem>>)
      %dma_wait3A_138 = arith.constant 0 : i32
      %dma_wait3A_139 = arith.constant 0 : i32
      %dma_wait3A_140 = tpu.memref_slice %arg5[%dma_wait3A_138, %dma_wait3A_139] : memref<4x16384xf32, #tpu.memory_space<vmem>> -> memref<1x16384xf32, #tpu.memory_space<vmem>>
      %dma_wait3A_141 = tpu.memref_squeeze %dma_wait3A_140 : memref<1x16384xf32, #tpu.memory_space<vmem>> -> memref<16384xf32, #tpu.memory_space<vmem>>
      %dma_wait3A_142 = tpu.memref_slice %arg4[%add3A_60] : memref<33554432xf32, #tpu.memory_space<hbm>> -> memref<16384xf32, #tpu.memory_space<hbm>>
      %dma_wait3A_143 = tpu.memref_slice %arg4[%add3A_60] : memref<33554432xf32, #tpu.memory_space<hbm>> -> memref<16384xf32, #tpu.memory_space<hbm>>
      %dma_wait3A_144 = arith.constant 0 : i32
      %dma_wait3A_145 = tpu.memref_slice %arg5[%dma_wait3A_138, %dma_wait3A_144] : memref<4x16384xf32, #tpu.memory_space<vmem>> -> memref<1x16384xf32, #tpu.memory_space<vmem>>
      %dma_wait3A_146 = tpu.memref_squeeze %dma_wait3A_145 : memref<1x16384xf32, #tpu.memory_space<vmem>> -> memref<16384xf32, #tpu.memory_space<vmem>>
      tpu.wait_dma2 semaphore(%arg11 : memref<!tpu.dma_semaphore, #tpu.memory_space<semaphore_mem>>) src(%dma_wait3A_146 : memref<16384xf32, #tpu.memory_space<vmem>>) dst(%dma_wait3A_143 : memref<16384xf32, #tpu.memory_space<hbm>>)
      %dma_wait3A_147 = arith.constant 1 : i32
      %dma_wait3A_148 = arith.constant 0 : i32
      %dma_wait3A_149 = tpu.memref_slice %arg5[%dma_wait3A_147, %dma_wait3A_148] : memref<4x16384xf32, #tpu.memory_space<vmem>> -> memref<1x16384xf32, #tpu.memory_space<vmem>>
      %dma_wait3A_150 = tpu.memref_squeeze %dma_wait3A_149 : memref<1x16384xf32, #tpu.memory_space<vmem>> -> memref<16384xf32, #tpu.memory_space<vmem>>
      %dma_wait3A_151 = tpu.memref_slice %arg4[%add3A_79] : memref<33554432xf32, #tpu.memory_space<hbm>> -> memref<16384xf32, #tpu.memory_space<hbm>>
      %dma_wait3A_152 = tpu.memref_slice %arg4[%add3A_79] : memref<33554432xf32, #tpu.memory_space<hbm>> -> memref<16384xf32, #tpu.memory_space<hbm>>
      %dma_wait3A_153 = arith.constant 0 : i32
      %dma_wait3A_154 = tpu.memref_slice %arg5[%dma_wait3A_147, %dma_wait3A_153] : memref<4x16384xf32, #tpu.memory_space<vmem>> -> memref<1x16384xf32, #tpu.memory_space<vmem>>
      %dma_wait3A_155 = tpu.memref_squeeze %dma_wait3A_154 : memref<1x16384xf32, #tpu.memory_space<vmem>> -> memref<16384xf32, #tpu.memory_space<vmem>>
      tpu.wait_dma2 semaphore(%arg12 : memref<!tpu.dma_semaphore, #tpu.memory_space<semaphore_mem>>) src(%dma_wait3A_155 : memref<16384xf32, #tpu.memory_space<vmem>>) dst(%dma_wait3A_152 : memref<16384xf32, #tpu.memory_space<hbm>>)
      %dma_wait3A_156 = arith.constant 2 : i32
      %dma_wait3A_157 = arith.constant 0 : i32
      %dma_wait3A_158 = tpu.memref_slice %arg5[%dma_wait3A_156, %dma_wait3A_157] : memref<4x16384xf32, #tpu.memory_space<vmem>> -> memref<1x16384xf32, #tpu.memory_space<vmem>>
      %dma_wait3A_159 = tpu.memref_squeeze %dma_wait3A_158 : memref<1x16384xf32, #tpu.memory_space<vmem>> -> memref<16384xf32, #tpu.memory_space<vmem>>
      %dma_wait3A_160 = tpu.memref_slice %arg4[%add3A_99] : memref<33554432xf32, #tpu.memory_space<hbm>> -> memref<16384xf32, #tpu.memory_space<hbm>>
      %dma_wait3A_161 = tpu.memref_slice %arg4[%add3A_99] : memref<33554432xf32, #tpu.memory_space<hbm>> -> memref<16384xf32, #tpu.memory_space<hbm>>
      %dma_wait3A_162 = arith.constant 0 : i32
      %dma_wait3A_163 = tpu.memref_slice %arg5[%dma_wait3A_156, %dma_wait3A_162] : memref<4x16384xf32, #tpu.memory_space<vmem>> -> memref<1x16384xf32, #tpu.memory_space<vmem>>
      %dma_wait3A_164 = tpu.memref_squeeze %dma_wait3A_163 : memref<1x16384xf32, #tpu.memory_space<vmem>> -> memref<16384xf32, #tpu.memory_space<vmem>>
      tpu.wait_dma2 semaphore(%arg13 : memref<!tpu.dma_semaphore, #tpu.memory_space<semaphore_mem>>) src(%dma_wait3A_164 : memref<16384xf32, #tpu.memory_space<vmem>>) dst(%dma_wait3A_161 : memref<16384xf32, #tpu.memory_space<hbm>>)
      %dma_wait3A_165 = arith.constant 3 : i32
      %dma_wait3A_166 = arith.constant 0 : i32
      %dma_wait3A_167 = tpu.memref_slice %arg5[%dma_wait3A_165, %dma_wait3A_166] : memref<4x16384xf32, #tpu.memory_space<vmem>> -> memref<1x16384xf32, #tpu.memory_space<vmem>>
      %dma_wait3A_168 = tpu.memref_squeeze %dma_wait3A_167 : memref<1x16384xf32, #tpu.memory_space<vmem>> -> memref<16384xf32, #tpu.memory_space<vmem>>
      %dma_wait3A_169 = tpu.memref_slice %arg4[%add3A_119] : memref<33554432xf32, #tpu.memory_space<hbm>> -> memref<16384xf32, #tpu.memory_space<hbm>>
      %dma_wait3A_170 = tpu.memref_slice %arg4[%add3A_119] : memref<33554432xf32, #tpu.memory_space<hbm>> -> memref<16384xf32, #tpu.memory_space<hbm>>
      %dma_wait3A_171 = arith.constant 0 : i32
      %dma_wait3A_172 = tpu.memref_slice %arg5[%dma_wait3A_165, %dma_wait3A_171] : memref<4x16384xf32, #tpu.memory_space<vmem>> -> memref<1x16384xf32, #tpu.memory_space<vmem>>
      %dma_wait3A_173 = tpu.memref_squeeze %dma_wait3A_172 : memref<1x16384xf32, #tpu.memory_space<vmem>> -> memref<16384xf32, #tpu.memory_space<vmem>>
      tpu.wait_dma2 semaphore(%arg14 : memref<!tpu.dma_semaphore, #tpu.memory_space<semaphore_mem>>) src(%dma_wait3A_173 : memref<16384xf32, #tpu.memory_space<vmem>>) dst(%dma_wait3A_170 : memref<16384xf32, #tpu.memory_space<hbm>>)
      %scan3A_174 = arith.constant 0 : i32
      scf.yield %scan3A_174 : i32
    }
    %scan3A_8 = arith.constant 16 : i32
    return
  }
}

</mosaic_0001>

<sc_bundles>
// kernel: kernel.3.cloned.1.call-start
scs
__scs_entry_jumppad:
0x0: {  	(pc) =	sbr.rel $0x88, $3  }
0x1: {  	(tag) =	ssettag $0x0;
	lr =	simm.s32 $0x1  }
0x2: {  	[smem:$0x3F9F] =	sst lr;
	_ =	strace $0xD0000000  }
0x3: {  	_ = 	snop  }
0x4: {  	_ = 	snop  }
0x5: {  	_ = 	snop  }
0x6: {  	_ = 	snop  }
0x7: {  	_ = 	snop  }
__scs_overlays_trampoline_lowered:
0x8: {  	[smem:$0x3FAE] =	sst s0  }
0x9: {  	[smem:$0x3FAF] =	sst s1  }
0xa: {  	[smem:$0x3FB0] =	sst s2  }
0xb: {  	[smem:$0x3FB1] =	sst s3  }
0xc: {  	[smem:$0x3FB2] =	sst s4  }
0xd: {  	[smem:$0x3FB3] =	sst s5  }
0xe: {  	[smem:$0x3FB4] =	sst s6  }
0xf: {  	[smem:$0x3FB5] =	sst s7  }
0x10: {  	[smem:$0x3FB6] =	sst s8  }
0x11: {  	[smem:$0x3FB7] =	sst s9;
	s0 =	simm.s32 @!p0 $0x0  }
0x12: {  	s1 =	sld [smem:$0x3F9D];
	s0 =	simm.s32 @p0 $0x1  }
0x13: {  	[smem:$0x3FB8] =	sst s0;
	s0 =	simm.s32 @!p1 $0x0  }
0x14: {  	s2 =	sld [smem:$0x3F9C];
	s0 =	simm.s32 @p1 $0x1  }
0x15: {  	[smem:$0x3FB9] =	sst s0;
	s0 =	simm.s32 @!p2 $0x0  }
0x16: {  	s3 =	sld [smem:$0x3FDB];
	s0 =	simm.s32 @p2 $0x1  }
0x17: {  	s4 =	simm.s32 $0x1BF5;
	[smem:$0x3FBB] =	sst s0  }
0x18: {  	s0 =	sld [smem:$0x3F9E];
	_ =	swait.ge [sflag:s4], $0x0  }
0x19: {  	s7 =	sld [smem:$0x3F9F]  }
0x1a: {  	s8 =	sadd.s32 $0xFFFFE003, lr  }
0x1b: {  	s9 =	sadd.s32 $0xFFFFFEF7, lr;
	s5 =	simm.s32 $0xFFFFFFFF;
	p2 =	slt.u32 s8, $0xFFFFF086  }
0x1c: {  	p1 =	slt.u32 s9, $0xF7A;
	s5 =	simm.s32 @!p2 $0x0  }
0x1d: {  	s5 =	simm.s32 @p1 $0x1;
	p0 =	seq.s32 s7, s2  }
0x1e: {  	s7 =	smul.u32 @!p0 $0xF7A, s2;
	p2 =	seq.s32 @!p0 s5, $0x0  }
0x1f: {  	s9 =	smul.u32 $0xF7A, s1;
	s8 =	simm.s32 @!p0 $0x1BF5;
	p2 =	por !p2, p0  }
0x20: {  	[sflag:s8] =	ssyncset.s32 @!p0 $0xFFFFF086;
	s6 =	sadd.s32 @!p0 s3, s7;
	s7 =	simm.s32 @!p0 $0x108  }
0x21: {  	s3 =	sadd.s32 s3, s9;
	s6 =	sadd.s32 @!p0 $0x88, s6;
	s7 =	simm.s32 @p2 $0x1082  }
0x22: {  	[simem:s7], [sflag:s8] =	dma.local @!p0 [hbm:s6], $0xF7A  }
0x23: {  	s9 =	sor.u32 $0xD0000000, s2;
	s6 =	simm.s32 $0x108;
	_ =	swait.ge @!p0 [sflag:s8], $0x0  }
0x24: {  	s3 =	sadd.s32 $0x88, s3;
	s6 =	simm.s32 @!p1 $0x1082;
	[sflag:s4] =	ssyncset.s32 $0xFFFFF086  }
0x25: {  	[simem:s6], [sflag:s4] =	dma.local [hbm:s3], $0xF7A  }
0x26: {  	[smem:$0x3F9F] =	sst s1;
	(tag) =	ssettag s2;
	_ =	strace s9  }
0x27: {  	s1 =	sld [smem:$0x3FAF]  }
0x28: {  	s2 =	sld [smem:$0x3FB0]  }
0x29: {  	s4 =	sld [smem:$0x3FB2]  }
0x2a: {  	p0 =	seq.s32 s5, $0x0;
	s5 =	sld [smem:$0x3FB3]  }
0x2b: {  	s6 =	sld [smem:$0x3FB4]  }
0x2c: {  	s7 =	sld [smem:$0x3FB5]  }
0x2d: {  	s3 =	simm.s32 $0x108;
	s8 =	sld [smem:$0x3FB6]  }
0x2e: {  	s3 =	simm.s32 @!p0 $0x1082;
	s9 =	sld [smem:$0x3FB7]  }
0x2f: {  	lr =	sadd.s32 s0, s3;
	s0 =	sld [smem:$0x3FAE]  }
0x30: {  	s3 =	sld [smem:$0x3FB1]  }
0x31: {  	[smem:$0x3FBA] =	sst s10  }
0x32: {  	s10 =	sld [smem:$0x3FB8];
	_ =	sdelay $0x3  }
0x33: {  	p0 =	seq.s32 s10, $0x1;
	s10 =	sld [smem:$0x3FBA];
	_ =	sdelay $0x3  }
0x34: {  	[smem:$0x3FBA] =	sst s10  }
0x35: {  	s10 =	sld [smem:$0x3FB9];
	_ =	sdelay $0x3  }
0x36: {  	p1 =	seq.s32 s10, $0x1;
	s10 =	sld [smem:$0x3FBA];
	_ =	sdelay $0x3  }
0x37: {  	[smem:$0x3FBA] =	sst s10  }
0x38: {  	s10 =	sld [smem:$0x3FBB]  }
0x39: {  	_ = 	snop;
	(pc) =	sbr.ind lr, $3  }
0x3a: {  	_ = 	snop  }
0x3b: {  	_ = 	snop  }
0x3c: {  	p2 =	seq.s32 s10, $0x1;
	s10 =	sld [smem:$0x3FBA]  }
0x3d: {  	_ =	shalt  }
0x3e: {  	_ =	shalt  }
0x3f: {  	_ =	shalt  }
0x40: {  	_ =	shalt  }
0x41: {  	_ =	shalt  }
0x42: {  	_ =	shalt  }
0x43: {  	_ =	shalt  }
0x44: {  	_ =	shalt  }
0x45: {  	_ =	shalt  }
0x46: {  	_ =	shalt  }
0x47: {  	_ =	shalt  }
0x48: {  	_ =	shalt  }
0x49: {  	_ =	shalt  }
0x4a: {  	_ =	shalt  }
0x4b: {  	_ =	shalt  }
0x4c: {  	_ =	shalt  }
0x4d: {  	_ =	shalt  }
0x4e: {  	_ =	shalt  }
0x4f: {  	_ =	shalt  }
0x50: {  	_ =	shalt  }
0x51: {  	_ =	shalt  }
0x52: {  	_ =	shalt  }
0x53: {  	_ =	shalt  }
0x54: {  	_ =	shalt  }
0x55: {  	_ =	shalt  }
0x56: {  	_ =	shalt  }
0x57: {  	_ =	shalt  }
0x58: {  	_ =	shalt  }
0x59: {  	_ =	shalt  }
0x5a: {  	_ =	shalt  }
0x5b: {  	_ =	shalt  }
0x5c: {  	_ =	shalt  }
0x5d: {  	_ =	shalt  }
0x5e: {  	_ =	shalt  }
0x5f: {  	_ =	shalt  }
0x60: {  	_ =	shalt  }
0x61: {  	_ =	shalt  }
0x62: {  	_ =	shalt  }
0x63: {  	_ =	shalt  }
0x64: {  	_ =	shalt  }
0x65: {  	_ =	shalt  }
0x66: {  	_ =	shalt  }
0x67: {  	_ =	shalt  }
0x68: {  	_ =	shalt  }
0x69: {  	_ =	shalt  }
0x6a: {  	_ =	shalt  }
0x6b: {  	_ =	shalt  }
0x6c: {  	_ =	shalt  }
0x6d: {  	_ =	shalt  }
0x6e: {  	_ =	shalt  }
0x6f: {  	_ =	shalt  }
0x70: {  	_ =	shalt  }
0x71: {  	_ =	shalt  }
0x72: {  	_ =	shalt  }
0x73: {  	_ =	shalt  }
0x74: {  	_ =	shalt  }
0x75: {  	_ =	shalt  }
0x76: {  	_ =	shalt  }
0x77: {  	_ =	shalt  }
0x78: {  	_ =	shalt  }
0x79: {  	_ =	shalt  }
0x7a: {  	_ =	shalt  }
0x7b: {  	_ =	shalt  }
0x7c: {  	_ =	shalt  }
0x7d: {  	_ =	shalt  }
0x7e: {  	_ =	shalt  }
0x7f: {  	_ =	shalt  }
0x80: {  	_ =	shalt  }
0x81: {  	_ =	shalt  }
0x82: {  	_ =	shalt  }
0x83: {  	_ =	shalt  }
0x84: {  	_ =	shalt  }
0x85: {  	_ =	shalt  }
0x86: {  	_ =	shalt  }
0x87: {  	_ =	shalt  }
.Lfunc_end0:
.L_simem_size_0:
called_computation.2_lowered:
.L_overlay_start_0:
0x88: {  	s2 =	sld [smem:$0x3FD9]  }
0x89: {  	s3 =	sld [smem:$0x3FFE];
	_ =	sdelay $0x1  }
0x8a: {  	s1 =	srdreg.scid  }
0x8b: {  	s0 =	sand.u32 $0x1, s1  }
0x8c: {  	s17 =	sshll.u32 s0, $0xA;
	s2 =	sadd.s32 s3, s2  }
0x8d: {  	s2 =	sadd.s32 s2, s17  }
0x8e: {  	[smem:$0x3FC6] =	sst s2  }
0x8f: {  	_ = 	snop  }
0x90: {  	s2 =	sld [smem:$0x3FD0];
	(tm) =	ssettm $0x1  }
0x91: {  	s18 =	sld [smem:$0x3FFB];
	_ =	sdelay $0x3  }
0x92: {  	_ =	strace s18  }
0x93: {  	s3 =	sld [smem:$0x3FFC];
	_ =	sdelay $0x3  }
0x94: {  	_ =	strace s3  }
0x95: {  	s3 =	sld [smem:$0x3FFD];
	_ =	sdelay $0x3  }
0x96: {  	_ =	strace s3  }
0x97: {  	_ =	strace $0x8FFFFFFF  }
0x98: {  	s19 =	sld [smem:$0x3FDB];
	_ =	sdelay $0x1  }
0x99: {  	s4 =	simm.s32 $_scs_section_size  }
0x9a: {  	s5 =	simm.s32 $_size__tile_overlayer_lowered;
	s6 =	simm.s32 $_tile_overlayer_lowered  }
0x9b: {  	s22 =	simm.s32 $0x1BFF;
	s21 =	sshll.u32 s6, $0x1;
	s3 =	sadd.s32 s4, s19  }
0x9c: {  	s7 =	simm.s32 $0x0;
	s20 =	sshll.u32 s5, $0x1;
	s5 =	sadd.s32 s21, s3  }
0x9d: {  	[timem:s7], [sflag:s22] =	dma.local [hbm:s5], s20  }
0x9e: {  	_ =	swait.ge [sflag:s22], s20  }
0x9f: {  	s4 =	ssub.s32 $0x0, s20;
	[sflag:s22] =	ssyncset.done $0x0  }
0xa0: {  	[sflag:s22] =	ssyncadd.s32 s4;
	_ =	sdelay $0x1  }
0xa1: {  	s23 =	simm.s32 $0x1B8B  }
0xa2: {  	_ =	swait.ge [sflag:s23], $0x1  }
0xa3: {  	[sflag:s23] =	ssyncset.done $0x0  }
0xa4: {  	s25 =	simm.s32 $0x1B8E;
	s24 =	sld [smem:$0x3FFE];
	[sflag:s23] =	ssyncadd.s32 $0xFFFFFFFF  }
0xa5: {  	s26 =	simm.s32 $execute0_lowered;
	[smem:$0x3FD2] =	sst s25  }
0xa6: {  	s5 =	sshll.u32 s26, $0x1;
	_ =	strace $0x8000004C;
	[dreg:$0x1] =	wrdreg $0xFFFFFFFF  }
0xa7: {  	s28 =	simm.s32 $_size_execute0_lowered;
	s3 =	sadd.s32 s3, s5;
	[dreg:$0x0] =	wrdreg $0x0  }
0xa8: {  	s5 =	sshll.u32 s28, $0x1;
	[dreg:$0x2] =	wrdreg s3  }
0xa9: {  	[dreg:$0x3] =	wrdreg s5  }
0xaa: {  	[dreg:$0x4] =	wrdreg $0xC0  }
0xab: {  	_ =	task [dreg:s7], $0x5FFFF  }
0xac: {  	[dreg:$0x1] =	wrdreg $0xFFFFFFFF  }
0xad: {  	[dreg:$0x0] =	wrdreg $0x60  }
0xae: {  	[dreg:$0x2] =	wrdreg s2  }
0xaf: {  	[dreg:$0x3] =	wrdreg s24  }
0xb0: {  	[dreg:$0x4] =	wrdreg $0x9  }
0xb1: {  	_ =	task.clear_ibuf [dreg:s7], $0x5FFFF;
	_ =	strace $0x9000004C  }
0xb2: {  	s29 =	simm.s32 $0x9;
	_ =	strace $0x8000004E  }
0xb3: {  	_ =	swait.ge [sflag:s29], $0x1  }
0xb4: {  	[sflag:s29] =	ssyncadd.s32 $0xFFFFFFFF  }
0xb5: {  	_ =	strace $0x9000004E  }
0xb6: {  	_ =	sfence  }
0xb7: {  	s30 =	sld [smem:$0x0];
	_ =	sdelay $0x2  }
0xb8: {  	s31 =	sshll.u32 s1, $0xD;
	s1 =	sshrl.u32 s1, $0x2  }
0xb9: {  	s3 =	sand.u32 $0x4000, s31;
	s1 =	sadd.s32 s1, s30  }
0xba: {  	s0 =	sor.u32 s3, s0;
	s1 =	sshll.u32 s1, $0x11  }
0xbb: {  	s0 =	sor.u32 s1, s0  }
0xbc: {  	s0 =	sadd.s32 $0x8F2B, s0  }
0xbd: {  	[sflag:s0] =	ssyncadd.remote.s32 $0x1  }
0xbe: {  	_ =	sfence.sel $0xFFFF  }
0xbf: {  	[dreg:$0x0] =	wrdreg $0xFFFFFFFF;
	(pc) =	sbr.abs _section_cstart, $3  }
0xc0: {  	[dreg:$0x1] =	wrdreg $0xFFFFFFFF  }
0xc1: {  	_ =	task.clear_ibuf [dreg:s7], $0x2FFFF;
	_ =	strace $0x9FFFFFFF  }
0xc2: {  	(tm) =	ssettm $0x7FFFFFFF  }
0xc3: {  	_ =	shalt  }
tec
execute0_lowered:
.L_overlay_start_1:
0x0: {  	(tag) =	ssettag $0x1  }
0x1: {  	s1 =	rddreg [dreg:$0x0]  }
0x2: {  	s5 =	rddreg [dreg:$0x1]  }
0x3: {  	s0 =	rddreg [dreg:$0x2];
	s2 =	simm.s32 $0x0;
	s3 =	srdreg.scid  }
0x4: {  	s10 =	simm.s32 $0x1;
	s11 =	simm.s32 $0x2;
	s12 =	simm.s32 $0x3  }
0x5: {  	s13 =	simm.s32 $0x4;
	s14 =	simm.s32 $0x5;
	s15 =	simm.s32 $0x6  }
0x6: {  	s16 =	simm.s32 $0x7;
	s17 =	simm.s32 $0x8;
	s18 =	simm.s32 $0x0  }
0x7: {  	[smem:$0x7FF] =	sst s2;
	s6 =	sand.u32 $0x1, s3;
	s4 =	sadd.s32 $0xC00, s5  }
0x8: {  	s3 =	stileid.u32;
	s5 =	sadd.s32 $0x139400, s5;
	s7 =	ssub.s32 $0x2, s6  }
0x9: {  	s9 =	sshll.u32 s3, $0x10;
	s6 =	sshll.u32 s6, $0xF;
	s8 =	sshrl.u32 s7, $0x1  }
0xa: {  	_ =	strace $0x8000004D;
	s6 =	sor.u32 s6, s9;
	s7 =	ssub.s32 s7, s8  }
0xb: {  	s9 =	simm.s32 $0x9;
	s8 =	simm.s32 $0x10000;
	s7 =	smax.u32 s7, $0x1  }
.LBB2_1:
0xc: {  	s19 =	simm.s32 $0x0  }
.LBB2_2:
0xd: {  	s20 =	sshll.u32 s19, $0xB  }
0xe: {  	s23 =	sadd.s32 s6, s20  }
0xf: {  	s21 =	simm.s32 $0x0;
	s20 =	sadd.s32 s1, s23  }
0x10: {  	s22 =	simm.s32 $0x10;
	s24 =	simm.s32 $0x200;
	s25 =	sadd.s32 $0x0, s20  }
.LBB2_3:
0x11: {  	[tilespmem:s21], [sflag:$0x1] =	stream.linear.gather [hbm4b:s25+s2], $0x80, $0x38;
	[tilespmem:$0x14000] =	vst v63  }
0x12: {  	s25 =	smov.u32 s22;
	s21 =	smov.u32 s24;
	p0 =	sne.s32 s22, $0x7F0  }
.Ltmp0:
0x13: {  	s22 =	sadd.s32 $0x10, s22;
	(pc) =	sbr.rel @p0 .LBB2_3-.Ltmp0, $2  }
0x14: {  	_ =	sdelay $0x2  }
0x15: {  	s24 =	sadd.s32 $0x200, s24;
	s25 =	sadd.s32 s25, s20  }
0x16: {  	[tilespmem:s21], [sflag:$0x1] =	stream.linear.gather [hbm4b:s25+s2], $0x80, $0x38;
	[tilespmem:$0x14000] =	vst v63  }
0x17: {  	s22 =	sor.u32 $0x100000, s23  }
0x18: {  	s21 =	simm.s32 $0x80;
	s20 =	sadd.s32 s1, s22  }
0x19: {  	s24 =	simm.s32 $0x10;
	s25 =	simm.s32 $0x280;
	s26 =	sadd.s32 $0x0, s20  }
.LBB2_5:
0x1a: {  	[tilespmem:s21], [sflag:$0x2] =	stream.linear.gather [hbm4b:s26+s2], $0x80, $0x38;
	[tilespmem:$0x14000] =	vst v63  }
0x1b: {  	s26 =	smov.u32 s24;
	s21 =	smov.u32 s25;
	p0 =	sne.s32 s24, $0x7F0  }
.Ltmp1:
0x1c: {  	s24 =	sadd.s32 $0x10, s24;
	(pc) =	sbr.rel @p0 .LBB2_5-.Ltmp1, $2  }
0x1d: {  	_ =	sdelay $0x2  }
0x1e: {  	s25 =	sadd.s32 $0x200, s25;
	s26 =	sadd.s32 s26, s20  }
0x1f: {  	[tilespmem:s21], [sflag:$0x2] =	stream.linear.gather [hbm4b:s26+s2], $0x80, $0x38;
	[tilespmem:$0x14000] =	vst v63  }
0x20: {  	s21 =	sor.u32 $0x200000, s23  }
0x21: {  	s24 =	simm.s32 $0x100;
	s20 =	sadd.s32 s1, s21  }
0x22: {  	s25 =	simm.s32 $0x10;
	s26 =	simm.s32 $0x300;
	s28 =	sadd.s32 $0x0, s20  }
.LBB2_7:
0x23: {  	[tilespmem:s24], [sflag:$0x3] =	stream.linear.gather [hbm4b:s28+s2], $0x80, $0x38;
	[tilespmem:$0x14000] =	vst v63  }
0x24: {  	s28 =	smov.u32 s25;
	s24 =	smov.u32 s26;
	p0 =	sne.s32 s25, $0x7F0  }
.Ltmp2:
0x25: {  	s25 =	sadd.s32 $0x10, s25;
	(pc) =	sbr.rel @p0 .LBB2_7-.Ltmp2, $2  }
0x26: {  	_ =	sdelay $0x2  }
0x27: {  	s26 =	sadd.s32 $0x200, s26;
	s28 =	sadd.s32 s28, s20  }
0x28: {  	[tilespmem:s24], [sflag:$0x3] =	stream.linear.gather [hbm4b:s28+s2], $0x80, $0x38;
	[tilespmem:$0x14000] =	vst v63  }
0x29: {  	s20 =	sor.u32 $0x300000, s23  }
0x2a: {  	s25 =	simm.s32 $0x180;
	s24 =	sadd.s32 s1, s20  }
0x2b: {  	s26 =	simm.s32 $0x10;
	s28 =	simm.s32 $0x380;
	s29 =	sadd.s32 $0x0, s24  }
.LBB2_9:
0x2c: {  	[tilespmem:s25], [sflag:$0x4] =	stream.linear.gather [hbm4b:s29+s2], $0x80, $0x38;
	[tilespmem:$0x14000] =	vst v63  }
0x2d: {  	s29 =	smov.u32 s26;
	s25 =	smov.u32 s28;
	p0 =	sne.s32 s26, $0x7F0  }
.Ltmp3:
0x2e: {  	s26 =	sadd.s32 $0x10, s26;
	(pc) =	sbr.rel @p0 .LBB2_9-.Ltmp3, $2  }
0x2f: {  	_ =	sdelay $0x2  }
0x30: {  	s28 =	sadd.s32 $0x200, s28;
	s29 =	sadd.s32 s29, s24  }
0x31: {  	[tilespmem:s25], [sflag:$0x4] =	stream.linear.gather [hbm4b:s29+s2], $0x80, $0x38;
	[tilespmem:$0x14000] =	vst v63  }
0x32: {  	s31 =	sadd.s32 s4, s23;
	s24 =	simm.s32 $0x0  }
0x33: {  	[tilespmem:s8], [sflag:$0x9] =	stream.linear.gather [hbm4b:s31+s24], $0x4000, $0x38;
	[tilespmem:$0x14000] =	vst v63  }
0x34: {  	_ =	swait.ge [sflag:s9], $0x4000  }
0x35: {  	[sflag:s9] =	ssyncset.done $0x0  }
0x36: {  	[sflag:s9] =	ssyncadd.s32 $0xFFFFC000  }
0x37: {  	_ =	swait.ge [sflag:s10], $0x4000  }
0x38: {  	s23 =	sadd.s32 s5, s23;
	s25 =	simm.s32 $0x10;
	[sflag:s10] =	ssyncset.done $0x0  }
0x39: {  	s26 =	simm.s32 $0x200;
	s28 =	sadd.s32 $0x0, s23;
	[sflag:s10] =	ssyncadd.s32 $0xFFFFC000  }
.LBB2_11:
0x3a: {  	[hbm4b:s28+s2] =	stream.linear.scatter [tilespmem:s24], [sflag:$0x5], $0x80, $0x38;
	[tilespmem:$0x14000] =	vst v63  }
0x3b: {  	s28 =	smov.u32 s25;
	s24 =	smov.u32 s26;
	p0 =	sne.s32 s25, $0x7F0  }
.Ltmp4:
0x3c: {  	s25 =	sadd.s32 $0x10, s25;
	(pc) =	sbr.rel @p0 .LBB2_11-.Ltmp4, $2  }
0x3d: {  	_ =	sdelay $0x2  }
0x3e: {  	s26 =	sadd.s32 $0x200, s26;
	s28 =	sadd.s32 s28, s23  }
0x3f: {  	[hbm4b:s28+s2] =	stream.linear.scatter [tilespmem:s24], [sflag:$0x5], $0x80, $0x38;
	[tilespmem:$0x14000] =	vst v63  }
0x40: {  	s22 =	sadd.s32 s5, s22;
	_ =	swait.ge [sflag:s11], $0x4000  }
0x41: {  	s23 =	simm.s32 $0x80;
	s24 =	simm.s32 $0x10;
	[sflag:s11] =	ssyncset.done $0x0  }
0x42: {  	s25 =	simm.s32 $0x280;
	s26 =	sadd.s32 $0x0, s22;
	[sflag:s11] =	ssyncadd.s32 $0xFFFFC000  }
.LBB2_13:
0x43: {  	[hbm4b:s26+s2] =	stream.linear.scatter [tilespmem:s23], [sflag:$0x6], $0x80, $0x38;
	[tilespmem:$0x14000] =	vst v63  }
0x44: {  	s26 =	smov.u32 s24;
	s23 =	smov.u32 s25;
	p0 =	sne.s32 s24, $0x7F0  }
.Ltmp5:
0x45: {  	s24 =	sadd.s32 $0x10, s24;
	(pc) =	sbr.rel @p0 .LBB2_13-.Ltmp5, $2  }
0x46: {  	_ =	sdelay $0x2  }
0x47: {  	s25 =	sadd.s32 $0x200, s25;
	s26 =	sadd.s32 s26, s22  }
0x48: {  	[hbm4b:s26+s2] =	stream.linear.scatter [tilespmem:s23], [sflag:$0x6], $0x80, $0x38;
	[tilespmem:$0x14000] =	vst v63  }
0x49: {  	s21 =	sadd.s32 s5, s21;
	_ =	swait.ge [sflag:s12], $0x4000  }
0x4a: {  	s22 =	simm.s32 $0x100;
	s23 =	simm.s32 $0x10;
	[sflag:s12] =	ssyncset.done $0x0  }
0x4b: {  	s24 =	simm.s32 $0x300;
	s25 =	sadd.s32 $0x0, s21;
	[sflag:s12] =	ssyncadd.s32 $0xFFFFC000  }
.LBB2_15:
0x4c: {  	[hbm4b:s25+s2] =	stream.linear.scatter [tilespmem:s22], [sflag:$0x7], $0x80, $0x38;
	[tilespmem:$0x14000] =	vst v63  }
0x4d: {  	s25 =	smov.u32 s23;
	s22 =	smov.u32 s24;
	p0 =	sne.s32 s23, $0x7F0  }
.Ltmp6:
0x4e: {  	s23 =	sadd.s32 $0x10, s23;
	(pc) =	sbr.rel @p0 .LBB2_15-.Ltmp6, $2  }
0x4f: {  	_ =	sdelay $0x2  }
0x50: {  	s24 =	sadd.s32 $0x200, s24;
	s25 =	sadd.s32 s25, s21  }
0x51: {  	[hbm4b:s25+s2] =	stream.linear.scatter [tilespmem:s22], [sflag:$0x7], $0x80, $0x38;
	[tilespmem:$0x14000] =	vst v63  }
0x52: {  	s20 =	sadd.s32 s5, s20;
	_ =	swait.ge [sflag:s13], $0x4000  }
0x53: {  	s21 =	simm.s32 $0x180;
	s22 =	simm.s32 $0x10;
	[sflag:s13] =	ssyncset.done $0x0  }
0x54: {  	s23 =	simm.s32 $0x380;
	s24 =	sadd.s32 $0x0, s20;
	[sflag:s13] =	ssyncadd.s32 $0xFFFFC000  }
.LBB2_17:
0x55: {  	[hbm4b:s24+s2] =	stream.linear.scatter [tilespmem:s21], [sflag:$0x8], $0x80, $0x38;
	[tilespmem:$0x14000] =	vst v63  }
0x56: {  	s24 =	smov.u32 s22;
	s21 =	smov.u32 s23;
	p0 =	sne.s32 s22, $0x7F0  }
.Ltmp7:
0x57: {  	s22 =	sadd.s32 $0x10, s22;
	(pc) =	sbr.rel @p0 .LBB2_17-.Ltmp7, $2  }
0x58: {  	_ =	sdelay $0x2  }
0x59: {  	s23 =	sadd.s32 $0x200, s23;
	s24 =	sadd.s32 s24, s20  }
0x5a: {  	[hbm4b:s24+s2] =	stream.linear.scatter [tilespmem:s21], [sflag:$0x8], $0x80, $0x38;
	[tilespmem:$0x14000] =	vst v63  }
0x5b: {  	_ =	swait.ge [sflag:s14], $0x4000  }
0x5c: {  	[sflag:s14] =	ssyncset.done $0x0  }
0x5d: {  	[sflag:s14] =	ssyncadd.s32 $0xFFFFC000  }
0x5e: {  	_ =	swait.ge [sflag:s15], $0x4000  }
0x5f: {  	[sflag:s15] =	ssyncset.done $0x0  }
0x60: {  	s19 =	sadd.s32 $0x1, s19;
	[sflag:s15] =	ssyncadd.s32 $0xFFFFC000  }
0x61: {  	p0 =	sne.s32 s19, $0x10;
	_ =	swait.ge [sflag:s16], $0x4000  }
.Ltmp8:
0x62: {  	[sflag:s16] =	ssyncset.done $0x0;
	(pc) =	sbr.rel @p0 .LBB2_2-.Ltmp8, $4  }
0x63: {  	[sflag:s16] =	ssyncadd.s32 $0xFFFFC000  }
0x64: {  	_ =	swait.ge [sflag:s17], $0x4000  }
0x65: {  	[sflag:s17] =	ssyncset.done $0x0  }
0x66: {  	[sflag:s17] =	ssyncadd.s32 $0xFFFFC000  }
0x67: {  	s18 =	sadd.s32 $0x1, s18  }
0x68: {  	p0 =	sne.s32 s18, s7  }
.Ltmp9:
0x69: {  	_ = 	snop;
	(pc) =	sbr.rel @p0 .LBB2_1-.Ltmp9, $1  }
0x6a: {  	_ =	sdelay $0x3  }
0x6b: {  	_ =	sfence.sel $0x180000  }
0x6c: {  	[bflag:$0x0] =	sbarrier.arrive $0xFFFF  }
0x6d: {  	p0 =	sne.s32 s3, $0x0;
	_ =	strace $0x9000004D  }
0x6e: {  	s0 =	sadd.s32 @!p0 $0x100000, s0;
	[bflag:$0x2] =	sbarrier.arrive $0xFFFF  }
0x6f: {  	[sflag:s0] =	ssyncadd.tile.s32 @!p0 $0x1;
	_ =	shalt  }
.Lfunc_end2:
_tile_overlayer_lowered:
.L_overlay_start_2:
0x70: {  	(tag) =	ssettag $0x2  }
0x71: {  	s0 =	rddreg [dreg:$0x0];
	s2 =	stileid.u32  }
0x72: {  	s1 =	rddreg [dreg:$0x1];
	p0 =	sne.s32 s2, $0x0  }
0x73: {  	s3 =	rddreg [dreg:$0x2];
	[bflag:$0x3] =	sbarrier.arrive $0xFFFF;
	s2 =	simm.s32 @!p0 $0x1C09  }
0x74: {  	[timem:s3], [sflag:s2] =	dma.local @!p0 [hbm:s0], s1  }
0x75: {  	s0 =	simm.s32 @!p0 $0x9  }
0x76: {  	_ =	swait.ge @!p0 [sflag:s0], s1  }
0x77: {  	s1 =	ssub.s32 @!p0 $0x0, s1;
	[sflag:s0] =	ssyncset.done @!p0 $0x0  }
0x78: {  	[sflag:s0] =	ssyncadd.s32 @!p0 s1  }
0x79: {  	[bflag:$0x3] =	sbarrier.arrive $0xFFFF  }
0x7a: {  	_ =	shalt  }

// kernel: sparse-core-data-format-call.1.cloned.1.call-start
scs
called_computation.1_lowered:
.L_overlay_start_0:
0x0: {  	s2 =	sld [smem:$0x3FD9]  }
0x1: {  	s3 =	sld [smem:$0x3FFE];
	_ =	sdelay $0x1  }
0x2: {  	s1 =	srdreg.scid  }
0x3: {  	s0 =	sand.u32 $0x1, s1  }
0x4: {  	s19 =	sshll.u32 s0, $0xA;
	s2 =	sadd.s32 s3, s2  }
0x5: {  	s2 =	sadd.s32 s2, s19  }
0x6: {  	[smem:$0x3FC6] =	sst s2  }
0x7: {  	_ = 	snop  }
0x8: {  	s20 =	sld [smem:$0x3FC9]  }
0x9: {  	s4 =	sld [smem:$0x3FD0];
	(tm) =	ssettm $0x1  }
0xa: {  	s21 =	sld [smem:$0x3FFB];
	_ =	sdelay $0x3  }
0xb: {  	_ =	strace s21  }
0xc: {  	s2 =	sld [smem:$0x3FFC];
	_ =	sdelay $0x3  }
0xd: {  	_ =	strace s2  }
0xe: {  	s2 =	sld [smem:$0x3FFD];
	_ =	sdelay $0x3  }
0xf: {  	_ =	strace s2  }
0x10: {  	_ =	strace $0x8FFFFFFF  }
0x11: {  	s22 =	sld [smem:$0x3FDB];
	_ =	sdelay $0x1  }
0x12: {  	s5 =	simm.s32 $_scs_section_size  }
0x13: {  	s6 =	simm.s32 $_size__tile_overlayer_lowered;
	s7 =	simm.s32 $_tile_overlayer_lowered  }
0x14: {  	s8 =	simm.s32 $0x1BFF;
	s23 =	sshll.u32 s7, $0x1;
	s5 =	sadd.s32 s5, s22  }
0x15: {  	s24 =	simm.s32 $0x0;
	s6 =	sshll.u32 s6, $0x1;
	s7 =	sadd.s32 s23, s5  }
0x16: {  	[timem:s24], [sflag:s8] =	dma.local [hbm:s7], s6  }
0x17: {  	_ =	swait.ge [sflag:s8], s6  }
0x18: {  	s6 =	ssub.s32 $0x0, s6;
	[sflag:s8] =	ssyncset.done $0x0  }
0x19: {  	[sflag:s8] =	ssyncadd.s32 s6;
	_ =	sdelay $0x1  }
0x1a: {  	s25 =	simm.s32 $0x1B8B  }
0x1b: {  	_ =	swait.ge [sflag:s25], $0x1  }
0x1c: {  	[sflag:s25] =	ssyncset.done $0x0  }
0x1d: {  	[sflag:s25] =	ssyncadd.s32 $0xFFFFFFFF  }
0x1e: {  	s6 =	sld [smem:$0x0]  }
0x1f: {  	s7 =	sand.u32 $0xFFFFFFFE, s1  }
0x20: {  	p0 =	sne.s32 s1, s7  }
0x21: {  	s7 =	sshll.u32 @p0 s7, $0xE  }
0x22: {  	s7 =	sadd.s32 @p0 $0x11B8D, s7;
	s8 =	sshll.u32 @p0 s6, $0x11  }
0x23: {  	s7 =	sor.u32 @p0 s8, s7  }
0x24: {  	[sflag:s7] =	ssyncadd.remote.s32 @p0 $0x1;
	_ =	sdelay $0x1  }
0x25: {  	s7 =	simm.s32 @p0 $0x1B8D  }
0x26: {  	_ =	swait.eq @p0 [sflag:s7], $0x1  }
0x27: {  	[sflag:s7] =	ssyncadd.s32 @p0 $0xFFFFFFFF  }
0x28: {  	s8 =	sshll.u32 @!p0 s1, $0xE  }
0x29: {  	s8 =	sor.u32 @!p0 $0x4000, s8;
	s7 =	simm.s32 @!p0 $0x1B8D  }
0x2a: {  	s6 =	sshll.u32 @!p0 s6, $0x11;
	s8 =	sadd.s32 @!p0 $0x11B8D, s8;
	_ =	swait.eq @!p0 [sflag:s7], $0x1  }
0x2b: {  	s6 =	sor.u32 @!p0 s6, s8;
	[sflag:s7] =	ssyncadd.s32 @!p0 $0xFFFFFFFF  }
0x2c: {  	s26 =	simm.s32 $0x1B8E;
	[sflag:s6] =	ssyncadd.remote.s32 @!p0 $0x1  }
0x2d: {  	s27 =	simm.s32 $execute0_lowered;
	[smem:$0x3FD2] =	sst s26  }
0x2e: {  	s6 =	sshll.u32 s27, $0x1;
	_ =	strace $0x80000049;
	[dreg:$0x1] =	wrdreg $0xFFFFFFFF  }
0x2f: {  	s28 =	simm.s32 $_size_execute0_lowered;
	s5 =	sadd.s32 s5, s6;
	[dreg:$0x0] =	wrdreg $0x0  }
0x30: {  	s6 =	sshll.u32 s28, $0x1;
	[dreg:$0x2] =	wrdreg s5  }
0x31: {  	[dreg:$0x3] =	wrdreg s6  }
0x32: {  	[dreg:$0x4] =	wrdreg $0xC0  }
0x33: {  	_ =	task [dreg:s24], $0x5FFFF  }
0x34: {  	[dreg:$0x1] =	wrdreg $0xFFFFFFFF  }
0x35: {  	[dreg:$0x0] =	wrdreg $0x60  }
0x36: {  	[dreg:$0x2] =	wrdreg s20  }
0x37: {  	[dreg:$0x3] =	wrdreg s4  }
0x38: {  	[dreg:$0x4] =	wrdreg $0xA  }
0x39: {  	_ =	task.clear_ibuf [dreg:s24], $0x5FFFF;
	_ =	strace $0x90000049  }
0x3a: {  	s29 =	simm.s32 $0xA;
	_ =	strace $0x8000004B  }
0x3b: {  	_ =	swait.ge [sflag:s29], $0x1  }
0x3c: {  	[sflag:s29] =	ssyncadd.s32 $0xFFFFFFFF  }
0x3d: {  	_ =	strace $0x9000004B  }
0x3e: {  	_ =	sfence  }
0x3f: {  	s30 =	sld [smem:$0x0];
	_ =	sdelay $0x2  }
0x40: {  	s31 =	sshll.u32 s1, $0xD;
	s1 =	sshrl.u32 s1, $0x2  }
0x41: {  	s4 =	sand.u32 $0x4000, s31;
	s1 =	sadd.s32 s1, s30  }
0x42: {  	s0 =	sor.u32 s4, s0;
	s1 =	sshll.u32 s1, $0x11  }
0x43: {  	s0 =	sor.u32 s1, s0  }
0x44: {  	s0 =	sadd.s32 $0x8F2B, s0  }
0x45: {  	[sflag:s0] =	ssyncadd.remote.s32 $0x1  }
0x46: {  	_ =	sfence.sel $0xFFFF  }
0x47: {  	[dreg:$0x0] =	wrdreg $0xFFFFFFFF;
	(pc) =	sbr.abs _section_cstart, $3  }
0x48: {  	[dreg:$0x1] =	wrdreg $0xFFFFFFFF  }
0x49: {  	_ =	task.clear_ibuf [dreg:s24], $0x2FFFF;
	_ =	strace $0x9FFFFFFF  }
0x4a: {  	(tm) =	ssettm $0x7FFFFFFF  }
0x4b: {  	_ =	shalt  }
tec
execute0_lowered:
.L_overlay_start_1:
0x0: {  	(tag) =	ssettag $0x1  }
0x1: {  	s0 =	srdreg.scid  }
0x2: {  	s1 =	sshll.u32 s0, $0x4  }
0x3: {  	s2 =	rddreg [dreg:$0x0];
	s0 =	stileid.u32;
	s1 =	sand.u32 $0x10, s1  }
0x4: {  	s4 =	rddreg [dreg:$0x1];
	s1 =	sor.u32 s0, s1  }
0x5: {  	s7 =	simm.s32 $0x1;
	s8 =	simm.s32 $0x2;
	s3 =	sshll.u32 s1, $0x1  }
0x6: {  	s9 =	simm.s32 $0x0;
	s12 =	simm.s32 $0x0;
	s6 =	ssub.s32 $0x1000, s3  }
.Ltmp0:
0x7: {  	s11 =	simm.s32 $0x0;
	s5 =	sand.u32 $0x3E, s6;
	(pc) =	sbr.rel .LBB1_1-.Ltmp0, $4  }
0x8: {  	s1 =	rddreg [dreg:$0x2];
	_ =	strace $0x8000004A;
	p0 =	sne.s32 s5, $0x0  }
0x9: {  	s6 =	sshrl.u32 s6, $0x6;
	s5 =	simm.s32 $0x1;
	s7 =	simm.s32 @!p0 $0x0  }
0xa: {  	s10 =	smov.u32 s3;
	[sflag:s5] =	ssyncpa.u1 $0x0;
	s6 =	sadd.s32 s7, s6  }
0xb: {  	[sflag:s8] =	ssyncpa.u1 $0x0;
	s8 =	simm.s32 $0x0;
	s7 =	sadd.s32 $0x1, s6  }
.LBB1_9:
0xc: {  	s14 =	sadd.s32 $0x40, s10  }
0xd: {  	p1 =	sgt.s32 s14, $0xFFF  }
0xe: {  	s14 =	smov.u32 @p1 s3;
	p1 =	sne.s32 s11, s7  }
.Ltmp1:
0xf: {  	p0 =	slt.u32 s11, $0x2;
	(pc) =	sbr.rel @!p1 .LBB1_10-.Ltmp1, $4  }
0x10: {  	s13 =	simm.s32 @!p0 $0x2  }
0x11: {  	s15 =	sadd.s32 $0x1, s11;
	_ =	swait.ge @!p0 [sflag:s13], $0x4000  }
0x12: {  	s12 =	smov.u32 s10;
	s9 =	sadd.s32 $0x4000, s9;
	[sflag:s13] =	ssyncset.done @!p0 $0x0  }
0x13: {  	s11 =	smov.u32 s15;
	s10 =	smov.u32 s14;
	[sflag:s13] =	ssyncadd.s32 @!p0 $0xFFFFC000  }
.LBB1_1:
0x14: {  	p0 =	sge.u32 s11, s6  }
0x15: {  	s13 =	sxor.u32 @!p0 $0xFFFFFFFF, s11  }
0x16: {  	s31 =	sadd.s32 $0xFFFFFFFF, s11;
	s14 =	sshll.u32 @!p0 s10, $0xA;
	s13 =	sshll.u32 @!p0 s13, $0xE  }
0x17: {  	s15 =	simm.s32 @!p0 $0x0;
	s14 =	sadd.s32 @!p0 s2, s14;
	s13 =	sand.u32 @!p0 $0x4000, s13  }
0x18: {  	[tilespmem:s13], [sflag:$0x1] =	stream.linear.gather @!p0 [hbm4b:s14+s15], $0x4000, $0x38;
	[tilespmem:$0x10000] =	vst v63  }
0x19: {  	p0 =	sge.u32 s31, s6  }
.Ltmp2:
0x1a: {  	_ = 	snop;
	(pc) =	sbr.rel @p0 .LBB1_9-.Ltmp2, $1  }
0x1b: {  	_ =	sdelay $0x3  }
0x1c: {  	s13 =	sshll.u32 s9, $0x2  }
0x1d: {  	_ =	swait.ge [sflag:s5], $0x4000;
	s14 =	sshll.u32 s11, $0xE;
	s16 =	simm.s32 $0x0  }
0x1e: {  	p1 =	por $0x1, $0x1;
	s13 =	sand.u32 $0x10000, s13;
	[sflag:s5] =	ssyncset.done $0x0  }
0x1f: {  	s14 =	sand.u32 $0x4000, s14;
	s15 =	sshrl.u32 s13, $0x2;
	[sflag:s5] =	ssyncadd.s32 $0xFFFFC000  }
0x20: {  	s13 =	sor.u32 $0x8000, s14;
	s14 =	sadd.s32 $0x8040, s15;
	s15 =	sadd.s32 $0x40, s15  }
.LBB1_3:
0x21: {  	s16 =	sshll.u32 s16, $0x2  }
0x22: {  	p0 =	por p1, p1;
	s17 =	sshra.s32 s16, $0x2  }
0x23: {  	s18 =	simm.s32 $0x0;
	s16 =	sadd.s32 s17, s14;
	s17 =	sadd.s32 s17, s15  }
.LBB1_4:
0x24: {  	v0 =	vmov s17;
	_ =	sdelay $0x3  }
0x25: {  	s20 =	simm.s32 $0x0  }
0x26: {  	v6 =	vld.idx.msk [tilespmem:v0+s20+$0x30 ss:$0x1], $0xffff  }
0x27: {  	v7 =	vld.idx.msk [tilespmem:v0+s20+$0xFFFFFFC0 ss:$0x1], $0xffff  }
0x28: {  	v5 =	vld.idx.msk [tilespmem:v0+s20+$0xFFFFFFD0 ss:$0x1], $0xffff  }
0x29: {  	v4 =	vld.idx.msk [tilespmem:v0+s20+$0xFFFFFFE0 ss:$0x1], $0xffff  }
0x2a: {  	v3 =	vld.idx.msk [tilespmem:v0+s20+$0xFFFFFFF0 ss:$0x1], $0xffff  }
0x2b: {  	v1 =	vld.idx.msk [tilespmem:v0+s20+$0x0 ss:$0x1], $0xffff  }
0x2c: {  	v2 =	vld.idx.msk [tilespmem:v0+s20+$0x10 ss:$0x1], $0xffff;
	[tilespmem:s16+$0x30] =	vst v6  }
0x2d: {  	s19 =	simm.s32 $0x80;
	s21 =	simm.s32 $0x400;
	[tilespmem:s16+$0xFFFFFFC0] =	vst v7;
	v6 =	vld.idx.msk [tilespmem:v0+s20+$0x20 ss:$0x1], $0xffff;
	s20 =	smov.u32 s16  }
.LBB1_5:
0x2e: {  	p1 =	sne.s32 s21, $0xE00;
	v7 =	vld.idx.msk [tilespmem:v0+s19+$0x30 ss:$0x1], $0xffff;
	[tilespmem:s20+$0xFFFFFFD0] =	vst v5  }
0x2f: {  	v8 =	vld.idx.msk [tilespmem:v0+s19+$0xFFFFFFC0 ss:$0x1], $0xffff;
	[tilespmem:s20+$0xFFFFFFE0] =	vst v4  }
0x30: {  	v5 =	vld.idx.msk [tilespmem:v0+s19+$0xFFFFFFD0 ss:$0x1], $0xffff;
	[tilespmem:s20+$0xFFFFFFF0] =	vst v3  }
.Ltmp3:
0x31: {  	v4 =	vld.idx.msk [tilespmem:v0+s19+$0xFFFFFFE0 ss:$0x1], $0xffff;
	[tilespmem:s20+$0x0] =	vst v1;
	(pc) =	sbr.rel @p1 .LBB1_5-.Ltmp3, $4  }
0x32: {  	v3 =	vld.idx.msk [tilespmem:v0+s19+$0xFFFFFFF0 ss:$0x1], $0xffff;
	[tilespmem:s20+$0x10] =	vst v2  }
0x33: {  	v1 =	vld.idx.msk [tilespmem:v0+s19+$0x0 ss:$0x1], $0xffff;
	[tilespmem:s20+$0x20] =	vst v6;
	s20 =	sadd.s32 $0x400, s20  }
0x34: {  	v2 =	vld.idx.msk [tilespmem:v0+s19+$0x10 ss:$0x1], $0xffff;
	[tilespmem:s20+$0x30] =	vst v7  }
0x35: {  	[tilespmem:s20+$0xFFFFFFC0] =	vst v8;
	v6 =	vld.idx.msk [tilespmem:v0+s19+$0x20 ss:$0x1], $0xffff;
	s19 =	sshra.s32 s21, $0x2;
	s21 =	sadd.s32 $0x200, s21  }
0x36: {  	_ =	sdelay $0x2  }
0x37: {  	[tilespmem:s20+$0xFFFFFFD0] =	vst v5  }
0x38: {  	v56 =	vld.idx.msk [tilespmem:v0+s19+$0x30 ss:$0x1], $0xffff;
	[tilespmem:s20+$0xFFFFFFE0] =	vst v4  }
0x39: {  	v57 =	vld.idx.msk [tilespmem:v0+s19+$0xFFFFFFC0 ss:$0x1], $0xffff;
	[tilespmem:s20+$0xFFFFFFF0] =	vst v3  }
0x3a: {  	v58 =	vld.idx.msk [tilespmem:v0+s19+$0xFFFFFFD0 ss:$0x1], $0xffff;
	[tilespmem:s20+$0x0] =	vst v1  }
0x3b: {  	v59 =	vld.idx.msk [tilespmem:v0+s19+$0xFFFFFFE0 ss:$0x1], $0xffff;
	[tilespmem:s20+$0x10] =	vst v2  }
0x3c: {  	v60 =	vld.idx.msk [tilespmem:v0+s19+$0xFFFFFFF0 ss:$0x1], $0xffff;
	s31 =	sadd.s32 $0x400, s20;
	[tilespmem:s20+$0x20] =	vst v6  }
0x3d: {  	v61 =	vld.idx.msk [tilespmem:v0+s19+$0x0 ss:$0x1], $0xffff;
	[tilespmem:s31+$0x30] =	vst v56  }
0x3e: {  	v62 =	vld.idx.msk [tilespmem:v0+s19+$0x10 ss:$0x1], $0xffff;
	s18 =	sadd.s32 $0x1, s18;
	[tilespmem:s31+$0xFFFFFFC0] =	vst v57  }
0x3f: {  	v63 =	vld.idx.msk [tilespmem:v0+s19+$0x20 ss:$0x1], $0xffff;
	p1 =	sne.s32 s18, $0x8;
	[tilespmem:s31+$0xFFFFFFD0] =	vst v58  }
.Ltmp4:
0x40: {  	[tilespmem:s31+$0xFFFFFFE0] =	vst v59;
	(pc) =	sbr.rel @p1 .LBB1_4-.Ltmp4, $4  }
0x41: {  	[tilespmem:s31+$0xFFFFFFF0] =	vst v60  }
0x42: {  	[tilespmem:s31+$0x0] =	vst v61  }
0x43: {  	[tilespmem:s31+$0x10] =	vst v62  }
0x44: {  	s16 =	sadd.s32 $0x80, s16;
	s17 =	sadd.s32 $0x400, s17;
	[tilespmem:s31+$0x20] =	vst v63  }
.Ltmp5:
0x45: {  	(pc) =	sbr.rel @p0 .LBB1_3-.Ltmp5, $2  }
0x46: {  	_ =	sdelay $0x2  }
0x47: {  	s16 =	simm.s32 $0x2000;
	p1 =	por $0x0, $0x0  }
.Ltmp6:
0x48: {  	(pc) =	sbr.rel .LBB1_9-.Ltmp6, $4  }
0x49: {  	_ = 	snop  }
0x4a: {  	s12 =	sshll.u32 s12, $0xA  }
0x4b: {  	s12 =	sadd.s32 s4, s12  }
0x4c: {  	[hbm4b:s12+s8] =	stream.linear.scatter [tilespmem:s13], [sflag:$0x2], $0x4000, $0x38;
	[tilespmem:$0x10000] =	vst v63  }
.LBB1_10:
0x4d: {  	_ =	sfence.sel $0x180000  }
0x4e: {  	s2 =	simm.s32 $0x1;
	[bflag:$0x0] =	sbarrier.arrive $0xFFFF  }
0x4f: {  	s31 =	simm.s32 $0x2;
	[sflag:s2] =	ssyncpa.u1 $0x1  }
0x50: {  	[sflag:s31] =	ssyncpa.u1 $0x1  }
0x51: {  	p0 =	sne.s32 s0, $0x0;
	_ =	strace $0x9000004A  }
0x52: {  	s0 =	sadd.s32 @!p0 $0x100000, s1;
	[bflag:$0x2] =	sbarrier.arrive $0xFFFF  }
0x53: {  	[sflag:s0] =	ssyncadd.tile.s32 @!p0 $0x1;
	_ =	shalt  }
.Lfunc_end1:
_tile_overlayer_lowered:
.L_overlay_start_2:
0x54: {  	(tag) =	ssettag $0x2  }
0x55: {  	s0 =	rddreg [dreg:$0x0];
	s2 =	stileid.u32  }
0x56: {  	s1 =	rddreg [dreg:$0x1];
	p0 =	sne.s32 s2, $0x0  }
0x57: {  	s3 =	rddreg [dreg:$0x2];
	[bflag:$0x3] =	sbarrier.arrive $0xFFFF;
	s2 =	simm.s32 @!p0 $0x1C01  }
0x58: {  	[timem:s3], [sflag:s2] =	dma.local @!p0 [hbm:s0], s1  }
0x59: {  	s0 =	simm.s32 @!p0 $0x1  }
0x5a: {  	_ =	swait.ge @!p0 [sflag:s0], s1  }
0x5b: {  	s1 =	ssub.s32 @!p0 $0x0, s1;
	[sflag:s0] =	ssyncset.done @!p0 $0x0  }
0x5c: {  	[sflag:s0] =	ssyncadd.s32 @!p0 s1  }
0x5d: {  	[bflag:$0x3] =	sbarrier.arrive $0xFFFF  }
0x5e: {  	_ =	shalt  }

// kernel: sparse-core-data-format-call.cloned.1.call-start
scs
called_computation_lowered:
.L_overlay_start_0:
0x0: {  	s2 =	sld [smem:$0x3FD9]  }
0x1: {  	s3 =	sld [smem:$0x3FFE];
	_ =	sdelay $0x1  }
0x2: {  	s1 =	srdreg.scid  }
0x3: {  	s0 =	sand.u32 $0x1, s1  }
0x4: {  	s18 =	sshll.u32 s0, $0xA;
	s2 =	sadd.s32 s3, s2  }
0x5: {  	s2 =	sadd.s32 s2, s18  }
0x6: {  	[smem:$0x3FC6] =	sst s2  }
0x7: {  	_ = 	snop  }
0x8: {  	s2 =	sld [smem:$0x3FC8];
	(tm) =	ssettm $0x1  }
0x9: {  	s19 =	sld [smem:$0x3FFB];
	_ =	sdelay $0x3  }
0xa: {  	_ =	strace s19  }
0xb: {  	s3 =	sld [smem:$0x3FFC];
	_ =	sdelay $0x3  }
0xc: {  	_ =	strace s3  }
0xd: {  	s3 =	sld [smem:$0x3FFD];
	_ =	sdelay $0x3  }
0xe: {  	_ =	strace s3  }
0xf: {  	_ =	strace $0x8FFFFFFF  }
0x10: {  	s20 =	sld [smem:$0x3FDB];
	_ =	sdelay $0x1  }
0x11: {  	s4 =	simm.s32 $_scs_section_size  }
0x12: {  	s5 =	simm.s32 $_size__tile_overlayer_lowered;
	s6 =	simm.s32 $_tile_overlayer_lowered  }
0x13: {  	s23 =	simm.s32 $0x1BFF;
	s22 =	sshll.u32 s6, $0x1;
	s3 =	sadd.s32 s4, s20  }
0x14: {  	s7 =	simm.s32 $0x0;
	s21 =	sshll.u32 s5, $0x1;
	s5 =	sadd.s32 s22, s3  }
0x15: {  	[timem:s7], [sflag:s23] =	dma.local [hbm:s5], s21  }
0x16: {  	_ =	swait.ge [sflag:s23], s21  }
0x17: {  	s4 =	ssub.s32 $0x0, s21;
	[sflag:s23] =	ssyncset.done $0x0  }
0x18: {  	[sflag:s23] =	ssyncadd.s32 s4;
	_ =	sdelay $0x1  }
0x19: {  	s24 =	simm.s32 $0x1B8B  }
0x1a: {  	_ =	swait.ge [sflag:s24], $0x1  }
0x1b: {  	[sflag:s24] =	ssyncset.done $0x0  }
0x1c: {  	s26 =	simm.s32 $0x1B8E;
	s25 =	sld [smem:$0x3FFE];
	[sflag:s24] =	ssyncadd.s32 $0xFFFFFFFF  }
0x1d: {  	s27 =	simm.s32 $execute0_lowered;
	[smem:$0x3FD2] =	sst s26  }
0x1e: {  	s5 =	sshll.u32 s27, $0x1;
	_ =	strace $0x80000046;
	[dreg:$0x1] =	wrdreg $0xFFFFFFFF  }
0x1f: {  	s28 =	simm.s32 $_size_execute0_lowered;
	s3 =	sadd.s32 s3, s5;
	[dreg:$0x0] =	wrdreg $0x0  }
0x20: {  	s5 =	sshll.u32 s28, $0x1;
	[dreg:$0x2] =	wrdreg s3  }
0x21: {  	[dreg:$0x3] =	wrdreg s5  }
0x22: {  	[dreg:$0x4] =	wrdreg $0xC0  }
0x23: {  	_ =	task [dreg:s7], $0x5FFFF  }
0x24: {  	[dreg:$0x1] =	wrdreg $0xFFFFFFFF  }
0x25: {  	[dreg:$0x0] =	wrdreg $0x60  }
0x26: {  	[dreg:$0x2] =	wrdreg s2  }
0x27: {  	[dreg:$0x3] =	wrdreg s25  }
0x28: {  	[dreg:$0x4] =	wrdreg $0x9  }
0x29: {  	_ =	task.clear_ibuf [dreg:s7], $0x5FFFF;
	_ =	strace $0x90000046  }
0x2a: {  	s29 =	simm.s32 $0x9;
	_ =	strace $0x80000048  }
0x2b: {  	_ =	swait.ge [sflag:s29], $0x1  }
0x2c: {  	[sflag:s29] =	ssyncadd.s32 $0xFFFFFFFF  }
0x2d: {  	_ =	strace $0x90000048  }
0x2e: {  	_ =	sfence  }
0x2f: {  	s30 =	sld [smem:$0x0];
	_ =	sdelay $0x2  }
0x30: {  	s31 =	sshll.u32 s1, $0xD;
	s1 =	sshrl.u32 s1, $0x2  }
0x31: {  	s3 =	sand.u32 $0x4000, s31;
	s1 =	sadd.s32 s1, s30  }
0x32: {  	s0 =	sor.u32 s3, s0;
	s1 =	sshll.u32 s1, $0x11  }
0x33: {  	s0 =	sor.u32 s1, s0  }
0x34: {  	s0 =	sadd.s32 $0x8F2B, s0  }
0x35: {  	[sflag:s0] =	ssyncadd.remote.s32 $0x1  }
0x36: {  	_ =	sfence.sel $0xFFFF  }
0x37: {  	[dreg:$0x0] =	wrdreg $0xFFFFFFFF;
	(pc) =	sbr.abs _section_cstart, $3  }
0x38: {  	[dreg:$0x1] =	wrdreg $0xFFFFFFFF  }
0x39: {  	_ =	task.clear_ibuf [dreg:s7], $0x2FFFF;
	_ =	strace $0x9FFFFFFF  }
0x3a: {  	(tm) =	ssettm $0x7FFFFFFF  }
0x3b: {  	_ =	shalt  }
tec
execute0_lowered:
.L_overlay_start_1:
0x0: {  	(tag) =	ssettag $0x1  }
0x1: {  	s0 =	srdreg.scid  }
0x2: {  	s1 =	sshll.u32 s0, $0x4  }
0x3: {  	s2 =	rddreg [dreg:$0x0];
	s0 =	stileid.u32;
	s1 =	sand.u32 $0x10, s1  }
0x4: {  	s4 =	rddreg [dreg:$0x1];
	s7 =	simm.s32 $0x1;
	s1 =	sor.u32 s0, s1  }
0x5: {  	s8 =	simm.s32 $0x2;
	s9 =	simm.s32 $0x0;
	s3 =	sshll.u32 s1, $0x1  }
0x6: {  	s12 =	simm.s32 $0x0;
	s11 =	simm.s32 $0x0;
	s6 =	ssub.s32 $0x4E2, s3  }
.Ltmp0:
0x7: {  	s4 =	sadd.s32 $0xC00, s4;
	s5 =	sand.u32 $0x3E, s6;
	(pc) =	sbr.rel .LBB1_1-.Ltmp0, $4  }
0x8: {  	s1 =	rddreg [dreg:$0x2];
	_ =	strace $0x80000047;
	p0 =	sne.s32 s5, $0x0  }
0x9: {  	s6 =	sshrl.u32 s6, $0x6;
	s5 =	simm.s32 $0x1;
	s7 =	simm.s32 @!p0 $0x0  }
0xa: {  	s10 =	smov.u32 s3;
	[sflag:s5] =	ssyncpa.u1 $0x0;
	s6 =	sadd.s32 s7, s6  }
0xb: {  	[sflag:s8] =	ssyncpa.u1 $0x0;
	s8 =	simm.s32 $0x0;
	s7 =	sadd.s32 $0x1, s6  }
.LBB1_9:
0xc: {  	s14 =	sadd.s32 $0x40, s10  }
0xd: {  	p1 =	sgt.s32 s14, $0x4E1  }
0xe: {  	s14 =	smov.u32 @p1 s3;
	p1 =	sne.s32 s11, s7  }
.Ltmp1:
0xf: {  	p0 =	slt.u32 s11, $0x2;
	(pc) =	sbr.rel @!p1 .LBB1_10-.Ltmp1, $4  }
0x10: {  	s13 =	simm.s32 @!p0 $0x2  }
0x11: {  	s15 =	sadd.s32 $0x1, s11;
	_ =	swait.ge @!p0 [sflag:s13], $0x4000  }
0x12: {  	s12 =	smov.u32 s10;
	s9 =	sadd.s32 $0x4000, s9;
	[sflag:s13] =	ssyncset.done @!p0 $0x0  }
0x13: {  	s11 =	smov.u32 s15;
	s10 =	smov.u32 s14;
	[sflag:s13] =	ssyncadd.s32 @!p0 $0xFFFFC000  }
.LBB1_1:
0x14: {  	p0 =	sge.u32 s11, s6  }
0x15: {  	s13 =	sxor.u32 @!p0 $0xFFFFFFFF, s11  }
0x16: {  	s31 =	sadd.s32 $0xFFFFFFFF, s11;
	s14 =	sshll.u32 @!p0 s10, $0xA;
	s13 =	sshll.u32 @!p0 s13, $0xE  }
0x17: {  	s15 =	simm.s32 @!p0 $0x0;
	s14 =	sadd.s32 @!p0 s2, s14;
	s13 =	sand.u32 @!p0 $0x4000, s13  }
0x18: {  	[tilespmem:s13], [sflag:$0x1] =	stream.linear.gather @!p0 [hbm4b:s14+s15], $0x4000, $0x38;
	[tilespmem:$0x10000] =	vst v63  }
0x19: {  	p0 =	sge.u32 s31, s6  }
.Ltmp2:
0x1a: {  	_ = 	snop;
	(pc) =	sbr.rel @p0 .LBB1_9-.Ltmp2, $1  }
0x1b: {  	_ =	sdelay $0x3  }
0x1c: {  	s13 =	sshll.u32 s9, $0x2  }
0x1d: {  	_ =	swait.ge [sflag:s5], $0x4000;
	s14 =	sshll.u32 s11, $0xE;
	s16 =	simm.s32 $0x0  }
0x1e: {  	p1 =	por $0x1, $0x1;
	s13 =	sand.u32 $0x10000, s13;
	[sflag:s5] =	ssyncset.done $0x0  }
0x1f: {  	s14 =	sand.u32 $0x4000, s14;
	s15 =	sshrl.u32 s13, $0x2;
	[sflag:s5] =	ssyncadd.s32 $0xFFFFC000  }
0x20: {  	s13 =	sor.u32 $0x8000, s14;
	s14 =	sadd.s32 $0x8040, s15;
	s15 =	sadd.s32 $0x40, s15  }
.LBB1_3:
0x21: {  	s16 =	sshll.u32 s16, $0x2  }
0x22: {  	p0 =	por p1, p1;
	s17 =	sshra.s32 s16, $0x2  }
0x23: {  	s18 =	simm.s32 $0x0;
	s16 =	sadd.s32 s17, s14;
	s17 =	sadd.s32 s17, s15  }
.LBB1_4:
0x24: {  	v0 =	vmov s17;
	_ =	sdelay $0x3  }
0x25: {  	s20 =	simm.s32 $0x0  }
0x26: {  	v6 =	vld.idx.msk [tilespmem:v0+s20+$0x30 ss:$0x1], $0xffff  }
0x27: {  	v7 =	vld.idx.msk [tilespmem:v0+s20+$0xFFFFFFC0 ss:$0x1], $0xffff  }
0x28: {  	v5 =	vld.idx.msk [tilespmem:v0+s20+$0xFFFFFFD0 ss:$0x1], $0xffff  }
0x29: {  	v4 =	vld.idx.msk [tilespmem:v0+s20+$0xFFFFFFE0 ss:$0x1], $0xffff  }
0x2a: {  	v3 =	vld.idx.msk [tilespmem:v0+s20+$0xFFFFFFF0 ss:$0x1], $0xffff  }
0x2b: {  	v1 =	vld.idx.msk [tilespmem:v0+s20+$0x0 ss:$0x1], $0xffff  }
0x2c: {  	v2 =	vld.idx.msk [tilespmem:v0+s20+$0x10 ss:$0x1], $0xffff;
	[tilespmem:s16+$0x30] =	vst v6  }
0x2d: {  	s19 =	simm.s32 $0x80;
	s21 =	simm.s32 $0x400;
	[tilespmem:s16+$0xFFFFFFC0] =	vst v7;
	v6 =	vld.idx.msk [tilespmem:v0+s20+$0x20 ss:$0x1], $0xffff;
	s20 =	smov.u32 s16  }
.LBB1_5:
0x2e: {  	p1 =	sne.s32 s21, $0xE00;
	v7 =	vld.idx.msk [tilespmem:v0+s19+$0x30 ss:$0x1], $0xffff;
	[tilespmem:s20+$0xFFFFFFD0] =	vst v5  }
0x2f: {  	v8 =	vld.idx.msk [tilespmem:v0+s19+$0xFFFFFFC0 ss:$0x1], $0xffff;
	[tilespmem:s20+$0xFFFFFFE0] =	vst v4  }
0x30: {  	v5 =	vld.idx.msk [tilespmem:v0+s19+$0xFFFFFFD0 ss:$0x1], $0xffff;
	[tilespmem:s20+$0xFFFFFFF0] =	vst v3  }
.Ltmp3:
0x31: {  	v4 =	vld.idx.msk [tilespmem:v0+s19+$0xFFFFFFE0 ss:$0x1], $0xffff;
	[tilespmem:s20+$0x0] =	vst v1;
	(pc) =	sbr.rel @p1 .LBB1_5-.Ltmp3, $4  }
0x32: {  	v3 =	vld.idx.msk [tilespmem:v0+s19+$0xFFFFFFF0 ss:$0x1], $0xffff;
	[tilespmem:s20+$0x10] =	vst v2  }
0x33: {  	v1 =	vld.idx.msk [tilespmem:v0+s19+$0x0 ss:$0x1], $0xffff;
	[tilespmem:s20+$0x20] =	vst v6;
	s20 =	sadd.s32 $0x400, s20  }
0x34: {  	v2 =	vld.idx.msk [tilespmem:v0+s19+$0x10 ss:$0x1], $0xffff;
	[tilespmem:s20+$0x30] =	vst v7  }
0x35: {  	[tilespmem:s20+$0xFFFFFFC0] =	vst v8;
	v6 =	vld.idx.msk [tilespmem:v0+s19+$0x20 ss:$0x1], $0xffff;
	s19 =	sshra.s32 s21, $0x2;
	s21 =	sadd.s32 $0x200, s21  }
0x36: {  	_ =	sdelay $0x2  }
0x37: {  	[tilespmem:s20+$0xFFFFFFD0] =	vst v5  }
0x38: {  	v56 =	vld.idx.msk [tilespmem:v0+s19+$0x30 ss:$0x1], $0xffff;
	[tilespmem:s20+$0xFFFFFFE0] =	vst v4  }
0x39: {  	v57 =	vld.idx.msk [tilespmem:v0+s19+$0xFFFFFFC0 ss:$0x1], $0xffff;
	[tilespmem:s20+$0xFFFFFFF0] =	vst v3  }
0x3a: {  	v58 =	vld.idx.msk [tilespmem:v0+s19+$0xFFFFFFD0 ss:$0x1], $0xffff;
	[tilespmem:s20+$0x0] =	vst v1  }
0x3b: {  	v59 =	vld.idx.msk [tilespmem:v0+s19+$0xFFFFFFE0 ss:$0x1], $0xffff;
	[tilespmem:s20+$0x10] =	vst v2  }
0x3c: {  	v60 =	vld.idx.msk [tilespmem:v0+s19+$0xFFFFFFF0 ss:$0x1], $0xffff;
	s31 =	sadd.s32 $0x400, s20;
	[tilespmem:s20+$0x20] =	vst v6  }
0x3d: {  	v61 =	vld.idx.msk [tilespmem:v0+s19+$0x0 ss:$0x1], $0xffff;
	[tilespmem:s31+$0x30] =	vst v56  }
0x3e: {  	v62 =	vld.idx.msk [tilespmem:v0+s19+$0x10 ss:$0x1], $0xffff;
	s18 =	sadd.s32 $0x1, s18;
	[tilespmem:s31+$0xFFFFFFC0] =	vst v57  }
0x3f: {  	v63 =	vld.idx.msk [tilespmem:v0+s19+$0x20 ss:$0x1], $0xffff;
	p1 =	sne.s32 s18, $0x8;
	[tilespmem:s31+$0xFFFFFFD0] =	vst v58  }
.Ltmp4:
0x40: {  	[tilespmem:s31+$0xFFFFFFE0] =	vst v59;
	(pc) =	sbr.rel @p1 .LBB1_4-.Ltmp4, $4  }
0x41: {  	[tilespmem:s31+$0xFFFFFFF0] =	vst v60  }
0x42: {  	[tilespmem:s31+$0x0] =	vst v61  }
0x43: {  	[tilespmem:s31+$0x10] =	vst v62  }
0x44: {  	s16 =	sadd.s32 $0x80, s16;
	s17 =	sadd.s32 $0x400, s17;
	[tilespmem:s31+$0x20] =	vst v63  }
.Ltmp5:
0x45: {  	(pc) =	sbr.rel @p0 .LBB1_3-.Ltmp5, $2  }
0x46: {  	_ =	sdelay $0x2  }
0x47: {  	s16 =	simm.s32 $0x2000;
	p1 =	por $0x0, $0x0  }
.Ltmp6:
0x48: {  	(pc) =	sbr.rel .LBB1_9-.Ltmp6, $4  }
0x49: {  	_ = 	snop  }
0x4a: {  	s12 =	sshll.u32 s12, $0xA  }
0x4b: {  	s12 =	sadd.s32 s4, s12  }
0x4c: {  	[hbm4b:s12+s8] =	stream.linear.scatter [tilespmem:s13], [sflag:$0x2], $0x4000, $0x38;
	[tilespmem:$0x10000] =	vst v63  }
.LBB1_10:
0x4d: {  	_ =	sfence.sel $0x180000  }
0x4e: {  	s2 =	simm.s32 $0x1;
	[bflag:$0x0] =	sbarrier.arrive $0xFFFF  }
0x4f: {  	s31 =	simm.s32 $0x2;
	[sflag:s2] =	ssyncpa.u1 $0x1  }
0x50: {  	[sflag:s31] =	ssyncpa.u1 $0x1  }
0x51: {  	p0 =	sne.s32 s0, $0x0;
	_ =	strace $0x90000047  }
0x52: {  	s0 =	sadd.s32 @!p0 $0x100000, s1;
	[bflag:$0x2] =	sbarrier.arrive $0xFFFF  }
0x53: {  	[sflag:s0] =	ssyncadd.tile.s32 @!p0 $0x1;
	_ =	shalt  }
.Lfunc_end1:
_tile_overlayer_lowered:
.L_overlay_start_2:
0x54: {  	(tag) =	ssettag $0x2  }
0x55: {  	s0 =	rddreg [dreg:$0x0];
	s2 =	stileid.u32  }
0x56: {  	s1 =	rddreg [dreg:$0x1];
	p0 =	sne.s32 s2, $0x0  }
0x57: {  	s3 =	rddreg [dreg:$0x2];
	[bflag:$0x3] =	sbarrier.arrive $0xFFFF;
	s2 =	simm.s32 @!p0 $0x1C01  }
0x58: {  	[timem:s3], [sflag:s2] =	dma.local @!p0 [hbm:s0], s1  }
0x59: {  	s0 =	simm.s32 @!p0 $0x1  }
0x5a: {  	_ =	swait.ge @!p0 [sflag:s0], s1  }
0x5b: {  	s1 =	ssub.s32 @!p0 $0x0, s1;
	[sflag:s0] =	ssyncset.done @!p0 $0x0  }
0x5c: {  	[sflag:s0] =	ssyncadd.s32 @!p0 s1  }
0x5d: {  	[bflag:$0x3] =	sbarrier.arrive $0xFFFF  }
0x5e: {  	_ =	shalt  }

</sc_bundles>
